<compile_context>
chip_gen: v7x
topology: tpu7x:2x2x1
jax: 0.10.2.dev20260603
libtpu: 0.0.44.dev20260713+nightly
codegen_flags: <defaults>
</compile_context>

<pallas_src>
import functools

import jax
import jax.numpy as jnp
from jax import lax
from jax.experimental import pallas as pl
from jax.experimental.pallas import tpu as pltpu
from jax.experimental.pallas import tpu_sc as plsc

L1_REG = 0.001
L2_REG = 0.001

N_ROWS = 1000000
N_IDX = 5 * 4096 * 26
D = 32
NW = 32
PER_W = N_IDX // NW
CHUNK = 128
N_CHUNKS = PER_W // CHUNK
G = 13
N_GROUPS = N_CHUNKS // G
GROUP_ROWS = G * CHUNK

PEN_ROWS = N_ROWS // NW
PCH = 625
N_PCH = PEN_ROWS // PCH
PUNROLL = 5


def _reduce_chunk(buf, acc1, acc2):
    def rbody(t, carry):
        a1, a2 = carry
        for u in range(PUNROLL):
            r = t * PUNROLL + u
            for c in (0, 16):
                x = buf[r, pl.ds(c, 16)]
                a1 = a1 + x * x
                a2 = a2 + jnp.abs(x)
        return a1, a2

    return lax.fori_loop(0, PCH // PUNROLL, rbody, (acc1, acc2))


def _embed_sc(W, x_flat):
    mesh = plsc.VectorSubcoreMesh(core_axis_name="c", subcore_axis_name="s")

    @functools.partial(
        pl.kernel,
        mesh=mesh,
        out_type=(
            jax.ShapeDtypeStruct((N_IDX, D), jnp.float32),
            jax.ShapeDtypeStruct((NW, 2, 16), jnp.float32),
        ),
        scratch_types=[
            pltpu.VMEM((PER_W,), jnp.int32),
            pltpu.VMEM((GROUP_ROWS, D), jnp.float32),
            pltpu.VMEM((PCH, D), jnp.float32),
            pltpu.VMEM((PCH, D), jnp.float32),
            pltpu.VMEM((2, 16), jnp.float32),
            pltpu.SemaphoreType.DMA,
            pltpu.SemaphoreType.DMA,
            pltpu.SemaphoreType.DMA,
        ],
        compiler_params=pltpu.CompilerParams(use_tc_tiling_on_sc=False),
    )
    def k(w_hbm, x_hbm, out_hbm, pen_hbm,
          idx_v, rows_v, pen_a, pen_b, pacc_v, sem, psem_a, psem_b):
        nc = 2
        wid = lax.axis_index("s") * nc + lax.axis_index("c")

        pltpu.sync_copy(x_hbm.at[pl.ds(wid * PER_W, PER_W)], idx_v)

        def gbody(g, carry):
            cps = []
            for j in range(G):
                cps.append(pltpu.async_copy(
                    w_hbm.at[idx_v.at[pl.ds((g * G + j) * CHUNK, CHUNK)]],
                    rows_v.at[pl.ds(j * CHUNK, CHUNK)],
                    sem,
                ))
            for cp in cps:
                cp.wait()
            pltpu.sync_copy(
                rows_v,
                out_hbm.at[pl.ds(wid * PER_W + g * GROUP_ROWS, GROUP_ROWS)])
            return carry

        lax.fori_loop(0, N_GROUPS, gbody, 0)

        prow = wid * PEN_ROWS
        acc1 = jnp.zeros((16,), jnp.float32)
        acc2 = jnp.zeros((16,), jnp.float32)

        cp0 = pltpu.async_copy(w_hbm.at[pl.ds(prow, PCH)], pen_a, psem_a)
        cp0.wait()

        def pbody(t, carry):
            a1, a2 = carry
            c_even = 2 * t
            cpb = pltpu.async_copy(
                w_hbm.at[pl.ds(prow + (c_even + 1) * PCH, PCH)],
                pen_b, psem_b)
            a1, a2 = _reduce_chunk(pen_a, a1, a2)
            cpb.wait()

            @pl.when(c_even + 2 < N_PCH)
            def _():
                pltpu.make_async_copy(
                    w_hbm.at[pl.ds(prow + (c_even + 2) * PCH, PCH)],
                    pen_a, psem_a).start()

            a1, a2 = _reduce_chunk(pen_b, a1, a2)

            @pl.when(c_even + 2 < N_PCH)
            def _():
                pltpu.make_async_copy(
                    w_hbm.at[pl.ds(prow, PCH)], pen_a, psem_a).wait()

            return a1, a2

        acc1, acc2 = lax.fori_loop(0, N_PCH // 2, pbody, (acc1, acc2))

        pacc_v[0, pl.ds(0, 16)] = acc1
        pacc_v[1, pl.ds(0, 16)] = acc2
        pltpu.sync_copy(pacc_v, pen_hbm.at[wid])

    return k(W, x_flat)


def kernel(X, W):
    n_samples, n_batch, input_dim = X.shape
    f_dim = input_dim * D
    rows, pens = _embed_sc(W, X.reshape(-1))
    Net = rows.reshape(n_samples, n_batch, f_dim)
    penalty = (L2_REG * 0.5) * jnp.sum(pens[:, 0, :]) \
        + L1_REG * jnp.sum(pens[:, 1, :])
    return Net, penalty

# --- scband reference (transcript-rebuilt; emitter-appended) ---
"""Pipeline reference for scband-embed-70755291234594 (READ-ONLY COPY).

The authoritative reference and input builder live on the scoring server;
editing this copy changes nothing except your own understanding.
"""

import jax, jax.numpy as jnp
import numpy as np

N_CATEGORIES = 1000000
OUTPUT_DIM = 32
L1_REG = 0.001
L2_REG = 0.001


def setup_inputs(seed: int = 0) -> dict:
    key = jax.random.key(seed)
    k1, k2 = jax.random.split(key)
    # rank-3 index tensor: [n_samples, n_batch, input_dim]
    X = jax.random.randint(k1, (5, 4096, 26), 0, N_CATEGORIES, dtype=jnp.int32)
    # embedding weight matrix W: [n_categories, output_dim] (glorot-uniform style init)
    limit = np.sqrt(6.0 / (N_CATEGORIES + OUTPUT_DIM))
    W = jax.random.uniform(k2, (N_CATEGORIES, OUTPUT_DIM), dtype=jnp.float32,
                           minval=-limit, maxval=limit)
    return {"X": X, "W": W}


def reference(X, W):
    # Embed._build: gather rows of W by category index, flatten per-row features
    n_samples, n_batch, input_dim = X.shape
    features = jnp.take(W, X, axis=0)  # [n_samples, n_batch, input_dim, output_dim]
    f_dims = input_dim * W.shape[1]
    Net = features.reshape(n_samples, n_batch, f_dims)
    # penalty = l2 * l2_loss(W) + l1 * ||W||_1 ; tf.nn.l2_loss = sum(W^2)/2
    penalty = L2_REG * 0.5 * jnp.sum(W * W) + L1_REG * jnp.sum(jnp.abs(W))
    return Net, penalty

if __name__ == "__main__":
    import jax
    _d = setup_inputs()
    print(jax.jit(kernel)(*tuple(_d.values())))

</pallas_src>

<mosaic_0001>
#map = affine_map<(d0, d1) -> (0, 0)>
#map1 = affine_map<(d0, d1) -> (0)>
#map2 = affine_map<(d0, d1) -> (0, 0, 0)>
module attributes {stable_mosaic.version = 14 : i64} {
  func.func @k(%arg0: i32, %arg1: i32, %arg2: memref<1000000x32xf32, #tpu.memory_space<hbm>>, %arg3: memref<532480xi32, #tpu.memory_space<hbm>>, %arg4: memref<532480x32xf32, #tpu.memory_space<hbm>>, %arg5: memref<32x2x16xf32, #tpu.memory_space<hbm>>, %arg6: memref<16640xi32, #tpu.memory_space<vmem>>, %arg7: memref<1664x32xf32, #tpu.memory_space<vmem>>, %arg8: memref<625x32xf32, #tpu.memory_space<vmem>>, %arg9: memref<625x32xf32, #tpu.memory_space<vmem>>, %arg10: memref<2x16xf32, #tpu.memory_space<vmem>>, %arg11: memref<!tpu.dma_semaphore, #tpu.memory_space<semaphore_mem>>, %arg12: memref<!tpu.dma_semaphore, #tpu.memory_space<semaphore_mem>>, %arg13: memref<!tpu.dma_semaphore, #tpu.memory_space<semaphore_mem>>) attributes {dimension_semantics = [#tpu.dimension_semantics<core_parallel>, #tpu.dimension_semantics<subcore_parallel>], iteration_bounds = array<i64: 2, 16>, scalar_prefetch = 0 : i64, scratch_operands = 8 : i64, tpu.core_type = #tpu.core_type<sc_vector_subcore>, window_params = [{transform_indices = #map}, {transform_indices = #map1}, {transform_indices = #map}, {transform_indices = #map2}]} {
    %mul3A = arith.constant 2 : i32
    %mul3A_0 = arith.muli %arg1, %mul3A : i32
    %add3A = arith.addi %mul3A_0, %arg0 : i32
    %mul3A_1 = arith.constant 16640 : i32
    %mul3A_2 = arith.muli %add3A, %mul3A_1 : i32
    "tpu.region"() ({
      %run_scoped3A = tpu.sem_alloc : memref<!tpu.dma_semaphore, #tpu.memory_space<semaphore_mem>>
      %dma_start3A_36 = tpu.memref_slice %arg3[%mul3A_2] : memref<532480xi32, #tpu.memory_space<hbm>> -> memref<16640xi32, #tpu.memory_space<hbm>>
      %dma_start3A_37 = tpu.memref_slice %arg3[%mul3A_2] : memref<532480xi32, #tpu.memory_space<hbm>> -> memref<16640xi32, #tpu.memory_space<hbm>>
      tpu.enqueue_dma source(%dma_start3A_37 : memref<16640xi32, #tpu.memory_space<hbm>>) target(%arg6 : memref<16640xi32, #tpu.memory_space<vmem>>) target_semaphore(%run_scoped3A : memref<!tpu.dma_semaphore, #tpu.memory_space<semaphore_mem>>)
      %dma_wait3A_38 = tpu.memref_slice %arg3[%mul3A_2] : memref<532480xi32, #tpu.memory_space<hbm>> -> memref<16640xi32, #tpu.memory_space<hbm>>
      %dma_wait3A_39 = tpu.memref_slice %arg3[%mul3A_2] : memref<532480xi32, #tpu.memory_space<hbm>> -> memref<16640xi32, #tpu.memory_space<hbm>>
      tpu.wait_dma2 semaphore(%run_scoped3A : memref<!tpu.dma_semaphore, #tpu.memory_space<semaphore_mem>>) src(%dma_wait3A_39 : memref<16640xi32, #tpu.memory_space<hbm>>) dst(%arg6 : memref<16640xi32, #tpu.memory_space<vmem>>)
      tpu.yield
    }) : () -> ()
    %scan3A = arith.constant 0 : i32
    %scan3A_3 = arith.constant 0 : i32
    %scan3A_4 = arith.constant 10 : i32
    %scan3A_5 = arith.addi %scan3A_3, %scan3A_4 : i32
    %scan3A_6 = arith.constant 1 : i32
    scf.for %scan3A_36 = %scan3A_3 to %scan3A_5 step %scan3A_6  : i32 {
      %mul3A_37 = arith.constant 13 : i32
      %mul3A_38 = arith.muli %scan3A_36, %mul3A_37 : i32
      %add3A_39 = arith.constant 0 : i32
      %add3A_40 = arith.addi %mul3A_38, %add3A_39 : i32
      %mul3A_41 = arith.constant 128 : i32
      %mul3A_42 = arith.muli %add3A_40, %mul3A_41 : i32
      %dma_start3A_43 = arith.constant 0 : i32
      %dma_start3A_44 = arith.constant 0 : i32
      %dma_start3A_45 = tpu.memref_slice %arg7[%dma_start3A_43, %dma_start3A_44] : memref<1664x32xf32, #tpu.memory_space<vmem>> -> memref<128x32xf32, #tpu.memory_space<vmem>>
      %dma_start3A_46 = tpu.memref_slice %arg6[%mul3A_42] : memref<16640xi32, #tpu.memory_space<vmem>> -> memref<128xi32, #tpu.memory_space<vmem>>
      %dma_start3A_47 = arith.constant 0 : i32
      %dma_start3A_48 = arith.constant 0 : i32
      %dma_start3A_49 = tpu.memref_slice %arg2[%dma_start3A_47, %dma_start3A_48] : memref<1000000x32xf32, #tpu.memory_space<hbm>> -> memref<1000000x32xf32, #tpu.memory_space<hbm>>
      tpu.enqueue_indirect_dma source(%dma_start3A_49 : memref<1000000x32xf32, #tpu.memory_space<hbm>>) target(%dma_start3A_45 : memref<128x32xf32, #tpu.memory_space<vmem>>) offsets(%dma_start3A_46 : memref<128xi32, #tpu.memory_space<vmem>>) semaphore(%arg11 : memref<!tpu.dma_semaphore, #tpu.memory_space<semaphore_mem>>)
      %mul3A_50 = arith.constant 13 : i32
      %mul3A_51 = arith.muli %scan3A_36, %mul3A_50 : i32
      %add3A_52 = arith.constant 1 : i32
      %add3A_53 = arith.addi %mul3A_51, %add3A_52 : i32
      %mul3A_54 = arith.constant 128 : i32
      %mul3A_55 = arith.muli %add3A_53, %mul3A_54 : i32
      %dma_start3A_56 = arith.constant 128 : i32
      %dma_start3A_57 = arith.constant 0 : i32
      %dma_start3A_58 = tpu.memref_slice %arg7[%dma_start3A_56, %dma_start3A_57] : memref<1664x32xf32, #tpu.memory_space<vmem>> -> memref<128x32xf32, #tpu.memory_space<vmem>>
      %dma_start3A_59 = tpu.memref_slice %arg6[%mul3A_55] : memref<16640xi32, #tpu.memory_space<vmem>> -> memref<128xi32, #tpu.memory_space<vmem>>
      %dma_start3A_60 = arith.constant 0 : i32
      %dma_start3A_61 = arith.constant 0 : i32
      %dma_start3A_62 = tpu.memref_slice %arg2[%dma_start3A_60, %dma_start3A_61] : memref<1000000x32xf32, #tpu.memory_space<hbm>> -> memref<1000000x32xf32, #tpu.memory_space<hbm>>
      tpu.enqueue_indirect_dma source(%dma_start3A_62 : memref<1000000x32xf32, #tpu.memory_space<hbm>>) target(%dma_start3A_58 : memref<128x32xf32, #tpu.memory_space<vmem>>) offsets(%dma_start3A_59 : memref<128xi32, #tpu.memory_space<vmem>>) semaphore(%arg11 : memref<!tpu.dma_semaphore, #tpu.memory_space<semaphore_mem>>)
      %mul3A_63 = arith.constant 13 : i32
      %mul3A_64 = arith.muli %scan3A_36, %mul3A_63 : i32
      %add3A_65 = arith.constant 2 : i32
      %add3A_66 = arith.addi %mul3A_64, %add3A_65 : i32
      %mul3A_67 = arith.constant 128 : i32
      %mul3A_68 = arith.muli %add3A_66, %mul3A_67 : i32
      %dma_start3A_69 = arith.constant 256 : i32
      %dma_start3A_70 = arith.constant 0 : i32
      %dma_start3A_71 = tpu.memref_slice %arg7[%dma_start3A_69, %dma_start3A_70] : memref<1664x32xf32, #tpu.memory_space<vmem>> -> memref<128x32xf32, #tpu.memory_space<vmem>>
      %dma_start3A_72 = tpu.memref_slice %arg6[%mul3A_68] : memref<16640xi32, #tpu.memory_space<vmem>> -> memref<128xi32, #tpu.memory_space<vmem>>
      %dma_start3A_73 = arith.constant 0 : i32
      %dma_start3A_74 = arith.constant 0 : i32
      %dma_start3A_75 = tpu.memref_slice %arg2[%dma_start3A_73, %dma_start3A_74] : memref<1000000x32xf32, #tpu.memory_space<hbm>> -> memref<1000000x32xf32, #tpu.memory_space<hbm>>
      tpu.enqueue_indirect_dma source(%dma_start3A_75 : memref<1000000x32xf32, #tpu.memory_space<hbm>>) target(%dma_start3A_71 : memref<128x32xf32, #tpu.memory_space<vmem>>) offsets(%dma_start3A_72 : memref<128xi32, #tpu.memory_space<vmem>>) semaphore(%arg11 : memref<!tpu.dma_semaphore, #tpu.memory_space<semaphore_mem>>)
      %mul3A_76 = arith.constant 13 : i32
      %mul3A_77 = arith.muli %scan3A_36, %mul3A_76 : i32
      %add3A_78 = arith.constant 3 : i32
      %add3A_79 = arith.addi %mul3A_77, %add3A_78 : i32
      %mul3A_80 = arith.constant 128 : i32
      %mul3A_81 = arith.muli %add3A_79, %mul3A_80 : i32
      %dma_start3A_82 = arith.constant 384 : i32
      %dma_start3A_83 = arith.constant 0 : i32
      %dma_start3A_84 = tpu.memref_slice %arg7[%dma_start3A_82, %dma_start3A_83] : memref<1664x32xf32, #tpu.memory_space<vmem>> -> memref<128x32xf32, #tpu.memory_space<vmem>>
      %dma_start3A_85 = tpu.memref_slice %arg6[%mul3A_81] : memref<16640xi32, #tpu.memory_space<vmem>> -> memref<128xi32, #tpu.memory_space<vmem>>
      %dma_start3A_86 = arith.constant 0 : i32
      %dma_start3A_87 = arith.constant 0 : i32
      %dma_start3A_88 = tpu.memref_slice %arg2[%dma_start3A_86, %dma_start3A_87] : memref<1000000x32xf32, #tpu.memory_space<hbm>> -> memref<1000000x32xf32, #tpu.memory_space<hbm>>
      tpu.enqueue_indirect_dma source(%dma_start3A_88 : memref<1000000x32xf32, #tpu.memory_space<hbm>>) target(%dma_start3A_84 : memref<128x32xf32, #tpu.memory_space<vmem>>) offsets(%dma_start3A_85 : memref<128xi32, #tpu.memory_space<vmem>>) semaphore(%arg11 : memref<!tpu.dma_semaphore, #tpu.memory_space<semaphore_mem>>)
      %mul3A_89 = arith.constant 13 : i32
      %mul3A_90 = arith.muli %scan3A_36, %mul3A_89 : i32
      %add3A_91 = arith.constant 4 : i32
      %add3A_92 = arith.addi %mul3A_90, %add3A_91 : i32
      %mul3A_93 = arith.constant 128 : i32
      %mul3A_94 = arith.muli %add3A_92, %mul3A_93 : i32
      %dma_start3A_95 = arith.constant 512 : i32
      %dma_start3A_96 = arith.constant 0 : i32
      %dma_start3A_97 = tpu.memref_slice %arg7[%dma_start3A_95, %dma_start3A_96] : memref<1664x32xf32, #tpu.memory_space<vmem>> -> memref<128x32xf32, #tpu.memory_space<vmem>>
      %dma_start3A_98 = tpu.memref_slice %arg6[%mul3A_94] : memref<16640xi32, #tpu.memory_space<vmem>> -> memref<128xi32, #tpu.memory_space<vmem>>
      %dma_start3A_99 = arith.constant 0 : i32
      %dma_start3A_100 = arith.constant 0 : i32
      %dma_start3A_101 = tpu.memref_slice %arg2[%dma_start3A_99, %dma_start3A_100] : memref<1000000x32xf32, #tpu.memory_space<hbm>> -> memref<1000000x32xf32, #tpu.memory_space<hbm>>
      tpu.enqueue_indirect_dma source(%dma_start3A_101 : memref<1000000x32xf32, #tpu.memory_space<hbm>>) target(%dma_start3A_97 : memref<128x32xf32, #tpu.memory_space<vmem>>) offsets(%dma_start3A_98 : memref<128xi32, #tpu.memory_space<vmem>>) semaphore(%arg11 : memref<!tpu.dma_semaphore, #tpu.memory_space<semaphore_mem>>)
      %mul3A_102 = arith.constant 13 : i32
      %mul3A_103 = arith.muli %scan3A_36, %mul3A_102 : i32
      %add3A_104 = arith.constant 5 : i32
      %add3A_105 = arith.addi %mul3A_103, %add3A_104 : i32
      %mul3A_106 = arith.constant 128 : i32
      %mul3A_107 = arith.muli %add3A_105, %mul3A_106 : i32
      %dma_start3A_108 = arith.constant 640 : i32
      %dma_start3A_109 = arith.constant 0 : i32
      %dma_start3A_110 = tpu.memref_slice %arg7[%dma_start3A_108, %dma_start3A_109] : memref<1664x32xf32, #tpu.memory_space<vmem>> -> memref<128x32xf32, #tpu.memory_space<vmem>>
      %dma_start3A_111 = tpu.memref_slice %arg6[%mul3A_107] : memref<16640xi32, #tpu.memory_space<vmem>> -> memref<128xi32, #tpu.memory_space<vmem>>
      %dma_start3A_112 = arith.constant 0 : i32
      %dma_start3A_113 = arith.constant 0 : i32
      %dma_start3A_114 = tpu.memref_slice %arg2[%dma_start3A_112, %dma_start3A_113] : memref<1000000x32xf32, #tpu.memory_space<hbm>> -> memref<1000000x32xf32, #tpu.memory_space<hbm>>
      tpu.enqueue_indirect_dma source(%dma_start3A_114 : memref<1000000x32xf32, #tpu.memory_space<hbm>>) target(%dma_start3A_110 : memref<128x32xf32, #tpu.memory_space<vmem>>) offsets(%dma_start3A_111 : memref<128xi32, #tpu.memory_space<vmem>>) semaphore(%arg11 : memref<!tpu.dma_semaphore, #tpu.memory_space<semaphore_mem>>)
      %mul3A_115 = arith.constant 13 : i32
      %mul3A_116 = arith.muli %scan3A_36, %mul3A_115 : i32
      %add3A_117 = arith.constant 6 : i32
      %add3A_118 = arith.addi %mul3A_116, %add3A_117 : i32
      %mul3A_119 = arith.constant 128 : i32
      %mul3A_120 = arith.muli %add3A_118, %mul3A_119 : i32
      %dma_start3A_121 = arith.constant 768 : i32
      %dma_start3A_122 = arith.constant 0 : i32
      %dma_start3A_123 = tpu.memref_slice %arg7[%dma_start3A_121, %dma_start3A_122] : memref<1664x32xf32, #tpu.memory_space<vmem>> -> memref<128x32xf32, #tpu.memory_space<vmem>>
      %dma_start3A_124 = tpu.memref_slice %arg6[%mul3A_120] : memref<16640xi32, #tpu.memory_space<vmem>> -> memref<128xi32, #tpu.memory_space<vmem>>
      %dma_start3A_125 = arith.constant 0 : i32
      %dma_start3A_126 = arith.constant 0 : i32
      %dma_start3A_127 = tpu.memref_slice %arg2[%dma_start3A_125, %dma_start3A_126] : memref<1000000x32xf32, #tpu.memory_space<hbm>> -> memref<1000000x32xf32, #tpu.memory_space<hbm>>
      tpu.enqueue_indirect_dma source(%dma_start3A_127 : memref<1000000x32xf32, #tpu.memory_space<hbm>>) target(%dma_start3A_123 : memref<128x32xf32, #tpu.memory_space<vmem>>) offsets(%dma_start3A_124 : memref<128xi32, #tpu.memory_space<vmem>>) semaphore(%arg11 : memref<!tpu.dma_semaphore, #tpu.memory_space<semaphore_mem>>)
      %mul3A_128 = arith.constant 13 : i32
      %mul3A_129 = arith.muli %scan3A_36, %mul3A_128 : i32
      %add3A_130 = arith.constant 7 : i32
      %add3A_131 = arith.addi %mul3A_129, %add3A_130 : i32
      %mul3A_132 = arith.constant 128 : i32
      %mul3A_133 = arith.muli %add3A_131, %mul3A_132 : i32
      %dma_start3A_134 = arith.constant 896 : i32
      %dma_start3A_135 = arith.constant 0 : i32
      %dma_start3A_136 = tpu.memref_slice %arg7[%dma_start3A_134, %dma_start3A_135] : memref<1664x32xf32, #tpu.memory_space<vmem>> -> memref<128x32xf32, #tpu.memory_space<vmem>>
      %dma_start3A_137 = tpu.memref_slice %arg6[%mul3A_133] : memref<16640xi32, #tpu.memory_space<vmem>> -> memref<128xi32, #tpu.memory_space<vmem>>
      %dma_start3A_138 = arith.constant 0 : i32
      %dma_start3A_139 = arith.constant 0 : i32
      %dma_start3A_140 = tpu.memref_slice %arg2[%dma_start3A_138, %dma_start3A_139] : memref<1000000x32xf32, #tpu.memory_space<hbm>> -> memref<1000000x32xf32, #tpu.memory_space<hbm>>
      tpu.enqueue_indirect_dma source(%dma_start3A_140 : memref<1000000x32xf32, #tpu.memory_space<hbm>>) target(%dma_start3A_136 : memref<128x32xf32, #tpu.memory_space<vmem>>) offsets(%dma_start3A_137 : memref<128xi32, #tpu.memory_space<vmem>>) semaphore(%arg11 : memref<!tpu.dma_semaphore, #tpu.memory_space<semaphore_mem>>)
      %mul3A_141 = arith.constant 13 : i32
      %mul3A_142 = arith.muli %scan3A_36, %mul3A_141 : i32
      %add3A_143 = arith.constant 8 : i32
      %add3A_144 = arith.addi %mul3A_142, %add3A_143 : i32
      %mul3A_145 = arith.constant 128 : i32
      %mul3A_146 = arith.muli %add3A_144, %mul3A_145 : i32
      %dma_start3A_147 = arith.constant 1024 : i32
      %dma_start3A_148 = arith.constant 0 : i32
      %dma_start3A_149 = tpu.memref_slice %arg7[%dma_start3A_147, %dma_start3A_148] : memref<1664x32xf32, #tpu.memory_space<vmem>> -> memref<128x32xf32, #tpu.memory_space<vmem>>
      %dma_start3A_150 = tpu.memref_slice %arg6[%mul3A_146] : memref<16640xi32, #tpu.memory_space<vmem>> -> memref<128xi32, #tpu.memory_space<vmem>>
      %dma_start3A_151 = arith.constant 0 : i32
      %dma_start3A_152 = arith.constant 0 : i32
      %dma_start3A_153 = tpu.memref_slice %arg2[%dma_start3A_151, %dma_start3A_152] : memref<1000000x32xf32, #tpu.memory_space<hbm>> -> memref<1000000x32xf32, #tpu.memory_space<hbm>>
      tpu.enqueue_indirect_dma source(%dma_start3A_153 : memref<1000000x32xf32, #tpu.memory_space<hbm>>) target(%dma_start3A_149 : memref<128x32xf32, #tpu.memory_space<vmem>>) offsets(%dma_start3A_150 : memref<128xi32, #tpu.memory_space<vmem>>) semaphore(%arg11 : memref<!tpu.dma_semaphore, #tpu.memory_space<semaphore_mem>>)
      %mul3A_154 = arith.constant 13 : i32
      %mul3A_155 = arith.muli %scan3A_36, %mul3A_154 : i32
      %add3A_156 = arith.constant 9 : i32
      %add3A_157 = arith.addi %mul3A_155, %add3A_156 : i32
      %mul3A_158 = arith.constant 128 : i32
      %mul3A_159 = arith.muli %add3A_157, %mul3A_158 : i32
      %dma_start3A_160 = arith.constant 1152 : i32
      %dma_start3A_161 = arith.constant 0 : i32
      %dma_start3A_162 = tpu.memref_slice %arg7[%dma_start3A_160, %dma_start3A_161] : memref<1664x32xf32, #tpu.memory_space<vmem>> -> memref<128x32xf32, #tpu.memory_space<vmem>>
      %dma_start3A_163 = tpu.memref_slice %arg6[%mul3A_159] : memref<16640xi32, #tpu.memory_space<vmem>> -> memref<128xi32, #tpu.memory_space<vmem>>
      %dma_start3A_164 = arith.constant 0 : i32
      %dma_start3A_165 = arith.constant 0 : i32
      %dma_start3A_166 = tpu.memref_slice %arg2[%dma_start3A_164, %dma_start3A_165] : memref<1000000x32xf32, #tpu.memory_space<hbm>> -> memref<1000000x32xf32, #tpu.memory_space<hbm>>
      tpu.enqueue_indirect_dma source(%dma_start3A_166 : memref<1000000x32xf32, #tpu.memory_space<hbm>>) target(%dma_start3A_162 : memref<128x32xf32, #tpu.memory_space<vmem>>) offsets(%dma_start3A_163 : memref<128xi32, #tpu.memory_space<vmem>>) semaphore(%arg11 : memref<!tpu.dma_semaphore, #tpu.memory_space<semaphore_mem>>)
      %mul3A_167 = arith.constant 13 : i32
      %mul3A_168 = arith.muli %scan3A_36, %mul3A_167 : i32
      %add3A_169 = arith.constant 10 : i32
      %add3A_170 = arith.addi %mul3A_168, %add3A_169 : i32
      %mul3A_171 = arith.constant 128 : i32
      %mul3A_172 = arith.muli %add3A_170, %mul3A_171 : i32
      %dma_start3A_173 = arith.constant 1280 : i32
      %dma_start3A_174 = arith.constant 0 : i32
      %dma_start3A_175 = tpu.memref_slice %arg7[%dma_start3A_173, %dma_start3A_174] : memref<1664x32xf32, #tpu.memory_space<vmem>> -> memref<128x32xf32, #tpu.memory_space<vmem>>
      %dma_start3A_176 = tpu.memref_slice %arg6[%mul3A_172] : memref<16640xi32, #tpu.memory_space<vmem>> -> memref<128xi32, #tpu.memory_space<vmem>>
      %dma_start3A_177 = arith.constant 0 : i32
      %dma_start3A_178 = arith.constant 0 : i32
      %dma_start3A_179 = tpu.memref_slice %arg2[%dma_start3A_177, %dma_start3A_178] : memref<1000000x32xf32, #tpu.memory_space<hbm>> -> memref<1000000x32xf32, #tpu.memory_space<hbm>>
      tpu.enqueue_indirect_dma source(%dma_start3A_179 : memref<1000000x32xf32, #tpu.memory_space<hbm>>) target(%dma_start3A_175 : memref<128x32xf32, #tpu.memory_space<vmem>>) offsets(%dma_start3A_176 : memref<128xi32, #tpu.memory_space<vmem>>) semaphore(%arg11 : memref<!tpu.dma_semaphore, #tpu.memory_space<semaphore_mem>>)
      %mul3A_180 = arith.constant 13 : i32
      %mul3A_181 = arith.muli %scan3A_36, %mul3A_180 : i32
      %add3A_182 = arith.constant 11 : i32
      %add3A_183 = arith.addi %mul3A_181, %add3A_182 : i32
      %mul3A_184 = arith.constant 128 : i32
      %mul3A_185 = arith.muli %add3A_183, %mul3A_184 : i32
      %dma_start3A_186 = arith.constant 1408 : i32
      %dma_start3A_187 = arith.constant 0 : i32
      %dma_start3A_188 = tpu.memref_slice %arg7[%dma_start3A_186, %dma_start3A_187] : memref<1664x32xf32, #tpu.memory_space<vmem>> -> memref<128x32xf32, #tpu.memory_space<vmem>>
      %dma_start3A_189 = tpu.memref_slice %arg6[%mul3A_185] : memref<16640xi32, #tpu.memory_space<vmem>> -> memref<128xi32, #tpu.memory_space<vmem>>
      %dma_start3A_190 = arith.constant 0 : i32
      %dma_start3A_191 = arith.constant 0 : i32
      %dma_start3A_192 = tpu.memref_slice %arg2[%dma_start3A_190, %dma_start3A_191] : memref<1000000x32xf32, #tpu.memory_space<hbm>> -> memref<1000000x32xf32, #tpu.memory_space<hbm>>
      tpu.enqueue_indirect_dma source(%dma_start3A_192 : memref<1000000x32xf32, #tpu.memory_space<hbm>>) target(%dma_start3A_188 : memref<128x32xf32, #tpu.memory_space<vmem>>) offsets(%dma_start3A_189 : memref<128xi32, #tpu.memory_space<vmem>>) semaphore(%arg11 : memref<!tpu.dma_semaphore, #tpu.memory_space<semaphore_mem>>)
      %mul3A_193 = arith.constant 13 : i32
      %mul3A_194 = arith.muli %scan3A_36, %mul3A_193 : i32
      %add3A_195 = arith.constant 12 : i32
      %add3A_196 = arith.addi %mul3A_194, %add3A_195 : i32
      %mul3A_197 = arith.constant 128 : i32
      %mul3A_198 = arith.muli %add3A_196, %mul3A_197 : i32
      %dma_start3A_199 = arith.constant 1536 : i32
      %dma_start3A_200 = arith.constant 0 : i32
      %dma_start3A_201 = tpu.memref_slice %arg7[%dma_start3A_199, %dma_start3A_200] : memref<1664x32xf32, #tpu.memory_space<vmem>> -> memref<128x32xf32, #tpu.memory_space<vmem>>
      %dma_start3A_202 = tpu.memref_slice %arg6[%mul3A_198] : memref<16640xi32, #tpu.memory_space<vmem>> -> memref<128xi32, #tpu.memory_space<vmem>>
      %dma_start3A_203 = arith.constant 0 : i32
      %dma_start3A_204 = arith.constant 0 : i32
      %dma_start3A_205 = tpu.memref_slice %arg2[%dma_start3A_203, %dma_start3A_204] : memref<1000000x32xf32, #tpu.memory_space<hbm>> -> memref<1000000x32xf32, #tpu.memory_space<hbm>>
      tpu.enqueue_indirect_dma source(%dma_start3A_205 : memref<1000000x32xf32, #tpu.memory_space<hbm>>) target(%dma_start3A_201 : memref<128x32xf32, #tpu.memory_space<vmem>>) offsets(%dma_start3A_202 : memref<128xi32, #tpu.memory_space<vmem>>) semaphore(%arg11 : memref<!tpu.dma_semaphore, #tpu.memory_space<semaphore_mem>>)
      %dma_wait3A_206 = arith.constant 0 : i32
      %dma_wait3A_207 = arith.constant 0 : i32
      %dma_wait3A_208 = tpu.memref_slice %arg7[%dma_wait3A_206, %dma_wait3A_207] : memref<1664x32xf32, #tpu.memory_space<vmem>> -> memref<128x32xf32, #tpu.memory_space<vmem>>
      %dma_wait3A_209 = tpu.memref_slice %arg6[%mul3A_42] : memref<16640xi32, #tpu.memory_space<vmem>> -> memref<128xi32, #tpu.memory_space<vmem>>
      %dma_wait3A_210 = arith.constant 0 : i32
      %dma_wait3A_211 = arith.constant 0 : i32
      %dma_wait3A_212 = tpu.memref_slice %arg2[%dma_wait3A_210, %dma_wait3A_211] : memref<1000000x32xf32, #tpu.memory_space<hbm>> -> memref<1000000x32xf32, #tpu.memory_space<hbm>>
      tpu.wait_indirect_dma semaphore(%arg11 : memref<!tpu.dma_semaphore, #tpu.memory_space<semaphore_mem>>) src(%dma_wait3A_212 : memref<1000000x32xf32, #tpu.memory_space<hbm>>) dst(%dma_wait3A_208 : memref<128x32xf32, #tpu.memory_space<vmem>>)
      %dma_wait3A_213 = arith.constant 128 : i32
      %dma_wait3A_214 = arith.constant 0 : i32
      %dma_wait3A_215 = tpu.memref_slice %arg7[%dma_wait3A_213, %dma_wait3A_214] : memref<1664x32xf32, #tpu.memory_space<vmem>> -> memref<128x32xf32, #tpu.memory_space<vmem>>
      %dma_wait3A_216 = tpu.memref_slice %arg6[%mul3A_55] : memref<16640xi32, #tpu.memory_space<vmem>> -> memref<128xi32, #tpu.memory_space<vmem>>
      %dma_wait3A_217 = arith.constant 0 : i32
      %dma_wait3A_218 = arith.constant 0 : i32
      %dma_wait3A_219 = tpu.memref_slice %arg2[%dma_wait3A_217, %dma_wait3A_218] : memref<1000000x32xf32, #tpu.memory_space<hbm>> -> memref<1000000x32xf32, #tpu.memory_space<hbm>>
      tpu.wait_indirect_dma semaphore(%arg11 : memref<!tpu.dma_semaphore, #tpu.memory_space<semaphore_mem>>) src(%dma_wait3A_219 : memref<1000000x32xf32, #tpu.memory_space<hbm>>) dst(%dma_wait3A_215 : memref<128x32xf32, #tpu.memory_space<vmem>>)
      %dma_wait3A_220 = arith.constant 256 : i32
      %dma_wait3A_221 = arith.constant 0 : i32
      %dma_wait3A_222 = tpu.memref_slice %arg7[%dma_wait3A_220, %dma_wait3A_221] : memref<1664x32xf32, #tpu.memory_space<vmem>> -> memref<128x32xf32, #tpu.memory_space<vmem>>
      %dma_wait3A_223 = tpu.memref_slice %arg6[%mul3A_68] : memref<16640xi32, #tpu.memory_space<vmem>> -> memref<128xi32, #tpu.memory_space<vmem>>
      %dma_wait3A_224 = arith.constant 0 : i32
      %dma_wait3A_225 = arith.constant 0 : i32
      %dma_wait3A_226 = tpu.memref_slice %arg2[%dma_wait3A_224, %dma_wait3A_225] : memref<1000000x32xf32, #tpu.memory_space<hbm>> -> memref<1000000x32xf32, #tpu.memory_space<hbm>>
      tpu.wait_indirect_dma semaphore(%arg11 : memref<!tpu.dma_semaphore, #tpu.memory_space<semaphore_mem>>) src(%dma_wait3A_226 : memref<1000000x32xf32, #tpu.memory_space<hbm>>) dst(%dma_wait3A_222 : memref<128x32xf32, #tpu.memory_space<vmem>>)
      %dma_wait3A_227 = arith.constant 384 : i32
      %dma_wait3A_228 = arith.constant 0 : i32
      %dma_wait3A_229 = tpu.memref_slice %arg7[%dma_wait3A_227, %dma_wait3A_228] : memref<1664x32xf32, #tpu.memory_space<vmem>> -> memref<128x32xf32, #tpu.memory_space<vmem>>
      %dma_wait3A_230 = tpu.memref_slice %arg6[%mul3A_81] : memref<16640xi32, #tpu.memory_space<vmem>> -> memref<128xi32, #tpu.memory_space<vmem>>
      %dma_wait3A_231 = arith.constant 0 : i32
      %dma_wait3A_232 = arith.constant 0 : i32
      %dma_wait3A_233 = tpu.memref_slice %arg2[%dma_wait3A_231, %dma_wait3A_232] : memref<1000000x32xf32, #tpu.memory_space<hbm>> -> memref<1000000x32xf32, #tpu.memory_space<hbm>>
      tpu.wait_indirect_dma semaphore(%arg11 : memref<!tpu.dma_semaphore, #tpu.memory_space<semaphore_mem>>) src(%dma_wait3A_233 : memref<1000000x32xf32, #tpu.memory_space<hbm>>) dst(%dma_wait3A_229 : memref<128x32xf32, #tpu.memory_space<vmem>>)
      %dma_wait3A_234 = arith.constant 512 : i32
      %dma_wait3A_235 = arith.constant 0 : i32
      %dma_wait3A_236 = tpu.memref_slice %arg7[%dma_wait3A_234, %dma_wait3A_235] : memref<1664x32xf32, #tpu.memory_space<vmem>> -> memref<128x32xf32, #tpu.memory_space<vmem>>
      %dma_wait3A_237 = tpu.memref_slice %arg6[%mul3A_94] : memref<16640xi32, #tpu.memory_space<vmem>> -> memref<128xi32, #tpu.memory_space<vmem>>
      %dma_wait3A_238 = arith.constant 0 : i32
      %dma_wait3A_239 = arith.constant 0 : i32
      %dma_wait3A_240 = tpu.memref_slice %arg2[%dma_wait3A_238, %dma_wait3A_239] : memref<1000000x32xf32, #tpu.memory_space<hbm>> -> memref<1000000x32xf32, #tpu.memory_space<hbm>>
      tpu.wait_indirect_dma semaphore(%arg11 : memref<!tpu.dma_semaphore, #tpu.memory_space<semaphore_mem>>) src(%dma_wait3A_240 : memref<1000000x32xf32, #tpu.memory_space<hbm>>) dst(%dma_wait3A_236 : memref<128x32xf32, #tpu.memory_space<vmem>>)
      %dma_wait3A_241 = arith.constant 640 : i32
      %dma_wait3A_242 = arith.constant 0 : i32
      %dma_wait3A_243 = tpu.memref_slice %arg7[%dma_wait3A_241, %dma_wait3A_242] : memref<1664x32xf32, #tpu.memory_space<vmem>> -> memref<128x32xf32, #tpu.memory_space<vmem>>
      %dma_wait3A_244 = tpu.memref_slice %arg6[%mul3A_107] : memref<16640xi32, #tpu.memory_space<vmem>> -> memref<128xi32, #tpu.memory_space<vmem>>
      %dma_wait3A_245 = arith.constant 0 : i32
      %dma_wait3A_246 = arith.constant 0 : i32
      %dma_wait3A_247 = tpu.memref_slice %arg2[%dma_wait3A_245, %dma_wait3A_246] : memref<1000000x32xf32, #tpu.memory_space<hbm>> -> memref<1000000x32xf32, #tpu.memory_space<hbm>>
      tpu.wait_indirect_dma semaphore(%arg11 : memref<!tpu.dma_semaphore, #tpu.memory_space<semaphore_mem>>) src(%dma_wait3A_247 : memref<1000000x32xf32, #tpu.memory_space<hbm>>) dst(%dma_wait3A_243 : memref<128x32xf32, #tpu.memory_space<vmem>>)
      %dma_wait3A_248 = arith.constant 768 : i32
      %dma_wait3A_249 = arith.constant 0 : i32
      %dma_wait3A_250 = tpu.memref_slice %arg7[%dma_wait3A_248, %dma_wait3A_249] : memref<1664x32xf32, #tpu.memory_space<vmem>> -> memref<128x32xf32, #tpu.memory_space<vmem>>
      %dma_wait3A_251 = tpu.memref_slice %arg6[%mul3A_120] : memref<16640xi32, #tpu.memory_space<vmem>> -> memref<128xi32, #tpu.memory_space<vmem>>
      %dma_wait3A_252 = arith.constant 0 : i32
      %dma_wait3A_253 = arith.constant 0 : i32
      %dma_wait3A_254 = tpu.memref_slice %arg2[%dma_wait3A_252, %dma_wait3A_253] : memref<1000000x32xf32, #tpu.memory_space<hbm>> -> memref<1000000x32xf32, #tpu.memory_space<hbm>>
      tpu.wait_indirect_dma semaphore(%arg11 : memref<!tpu.dma_semaphore, #tpu.memory_space<semaphore_mem>>) src(%dma_wait3A_254 : memref<1000000x32xf32, #tpu.memory_space<hbm>>) dst(%dma_wait3A_250 : memref<128x32xf32, #tpu.memory_space<vmem>>)
      %dma_wait3A_255 = arith.constant 896 : i32
      %dma_wait3A_256 = arith.constant 0 : i32
      %dma_wait3A_257 = tpu.memref_slice %arg7[%dma_wait3A_255, %dma_wait3A_256] : memref<1664x32xf32, #tpu.memory_space<vmem>> -> memref<128x32xf32, #tpu.memory_space<vmem>>
      %dma_wait3A_258 = tpu.memref_slice %arg6[%mul3A_133] : memref<16640xi32, #tpu.memory_space<vmem>> -> memref<128xi32, #tpu.memory_space<vmem>>
      %dma_wait3A_259 = arith.constant 0 : i32
      %dma_wait3A_260 = arith.constant 0 : i32
      %dma_wait3A_261 = tpu.memref_slice %arg2[%dma_wait3A_259, %dma_wait3A_260] : memref<1000000x32xf32, #tpu.memory_space<hbm>> -> memref<1000000x32xf32, #tpu.memory_space<hbm>>
      tpu.wait_indirect_dma semaphore(%arg11 : memref<!tpu.dma_semaphore, #tpu.memory_space<semaphore_mem>>) src(%dma_wait3A_261 : memref<1000000x32xf32, #tpu.memory_space<hbm>>) dst(%dma_wait3A_257 : memref<128x32xf32, #tpu.memory_space<vmem>>)
      %dma_wait3A_262 = arith.constant 1024 : i32
      %dma_wait3A_263 = arith.constant 0 : i32
      %dma_wait3A_264 = tpu.memref_slice %arg7[%dma_wait3A_262, %dma_wait3A_263] : memref<1664x32xf32, #tpu.memory_space<vmem>> -> memref<128x32xf32, #tpu.memory_space<vmem>>
      %dma_wait3A_265 = tpu.memref_slice %arg6[%mul3A_146] : memref<16640xi32, #tpu.memory_space<vmem>> -> memref<128xi32, #tpu.memory_space<vmem>>
      %dma_wait3A_266 = arith.constant 0 : i32
      %dma_wait3A_267 = arith.constant 0 : i32
      %dma_wait3A_268 = tpu.memref_slice %arg2[%dma_wait3A_266, %dma_wait3A_267] : memref<1000000x32xf32, #tpu.memory_space<hbm>> -> memref<1000000x32xf32, #tpu.memory_space<hbm>>
      tpu.wait_indirect_dma semaphore(%arg11 : memref<!tpu.dma_semaphore, #tpu.memory_space<semaphore_mem>>) src(%dma_wait3A_268 : memref<1000000x32xf32, #tpu.memory_space<hbm>>) dst(%dma_wait3A_264 : memref<128x32xf32, #tpu.memory_space<vmem>>)
      %dma_wait3A_269 = arith.constant 1152 : i32
      %dma_wait3A_270 = arith.constant 0 : i32
      %dma_wait3A_271 = tpu.memref_slice %arg7[%dma_wait3A_269, %dma_wait3A_270] : memref<1664x32xf32, #tpu.memory_space<vmem>> -> memref<128x32xf32, #tpu.memory_space<vmem>>
      %dma_wait3A_272 = tpu.memref_slice %arg6[%mul3A_159] : memref<16640xi32, #tpu.memory_space<vmem>> -> memref<128xi32, #tpu.memory_space<vmem>>
      %dma_wait3A_273 = arith.constant 0 : i32
      %dma_wait3A_274 = arith.constant 0 : i32
      %dma_wait3A_275 = tpu.memref_slice %arg2[%dma_wait3A_273, %dma_wait3A_274] : memref<1000000x32xf32, #tpu.memory_space<hbm>> -> memref<1000000x32xf32, #tpu.memory_space<hbm>>
      tpu.wait_indirect_dma semaphore(%arg11 : memref<!tpu.dma_semaphore, #tpu.memory_space<semaphore_mem>>) src(%dma_wait3A_275 : memref<1000000x32xf32, #tpu.memory_space<hbm>>) dst(%dma_wait3A_271 : memref<128x32xf32, #tpu.memory_space<vmem>>)
      %dma_wait3A_276 = arith.constant 1280 : i32
      %dma_wait3A_277 = arith.constant 0 : i32
      %dma_wait3A_278 = tpu.memref_slice %arg7[%dma_wait3A_276, %dma_wait3A_277] : memref<1664x32xf32, #tpu.memory_space<vmem>> -> memref<128x32xf32, #tpu.memory_space<vmem>>
      %dma_wait3A_279 = tpu.memref_slice %arg6[%mul3A_172] : memref<16640xi32, #tpu.memory_space<vmem>> -> memref<128xi32, #tpu.memory_space<vmem>>
      %dma_wait3A_280 = arith.constant 0 : i32
      %dma_wait3A_281 = arith.constant 0 : i32
      %dma_wait3A_282 = tpu.memref_slice %arg2[%dma_wait3A_280, %dma_wait3A_281] : memref<1000000x32xf32, #tpu.memory_space<hbm>> -> memref<1000000x32xf32, #tpu.memory_space<hbm>>
      tpu.wait_indirect_dma semaphore(%arg11 : memref<!tpu.dma_semaphore, #tpu.memory_space<semaphore_mem>>) src(%dma_wait3A_282 : memref<1000000x32xf32, #tpu.memory_space<hbm>>) dst(%dma_wait3A_278 : memref<128x32xf32, #tpu.memory_space<vmem>>)
      %dma_wait3A_283 = arith.constant 1408 : i32
      %dma_wait3A_284 = arith.constant 0 : i32
      %dma_wait3A_285 = tpu.memref_slice %arg7[%dma_wait3A_283, %dma_wait3A_284] : memref<1664x32xf32, #tpu.memory_space<vmem>> -> memref<128x32xf32, #tpu.memory_space<vmem>>
      %dma_wait3A_286 = tpu.memref_slice %arg6[%mul3A_185] : memref<16640xi32, #tpu.memory_space<vmem>> -> memref<128xi32, #tpu.memory_space<vmem>>
      %dma_wait3A_287 = arith.constant 0 : i32
      %dma_wait3A_288 = arith.constant 0 : i32
      %dma_wait3A_289 = tpu.memref_slice %arg2[%dma_wait3A_287, %dma_wait3A_288] : memref<1000000x32xf32, #tpu.memory_space<hbm>> -> memref<1000000x32xf32, #tpu.memory_space<hbm>>
      tpu.wait_indirect_dma semaphore(%arg11 : memref<!tpu.dma_semaphore, #tpu.memory_space<semaphore_mem>>) src(%dma_wait3A_289 : memref<1000000x32xf32, #tpu.memory_space<hbm>>) dst(%dma_wait3A_285 : memref<128x32xf32, #tpu.memory_space<vmem>>)
      %dma_wait3A_290 = arith.constant 1536 : i32
      %dma_wait3A_291 = arith.constant 0 : i32
      %dma_wait3A_292 = tpu.memref_slice %arg7[%dma_wait3A_290, %dma_wait3A_291] : memref<1664x32xf32, #tpu.memory_space<vmem>> -> memref<128x32xf32, #tpu.memory_space<vmem>>
      %dma_wait3A_293 = tpu.memref_slice %arg6[%mul3A_198] : memref<16640xi32, #tpu.memory_space<vmem>> -> memref<128xi32, #tpu.memory_space<vmem>>
      %dma_wait3A_294 = arith.constant 0 : i32
      %dma_wait3A_295 = arith.constant 0 : i32
      %dma_wait3A_296 = tpu.memref_slice %arg2[%dma_wait3A_294, %dma_wait3A_295] : memref<1000000x32xf32, #tpu.memory_space<hbm>> -> memref<1000000x32xf32, #tpu.memory_space<hbm>>
      tpu.wait_indirect_dma semaphore(%arg11 : memref<!tpu.dma_semaphore, #tpu.memory_space<semaphore_mem>>) src(%dma_wait3A_296 : memref<1000000x32xf32, #tpu.memory_space<hbm>>) dst(%dma_wait3A_292 : memref<128x32xf32, #tpu.memory_space<vmem>>)
      %mul3A_297 = arith.constant 16640 : i32
      %mul3A_298 = arith.muli %add3A, %mul3A_297 : i32
      %mul3A_299 = arith.constant 1664 : i32
      %mul3A_300 = arith.muli %scan3A_36, %mul3A_299 : i32
      %add3A_301 = arith.addi %mul3A_298, %mul3A_300 : i32
      "tpu.region"() ({
        %run_scoped3A = tpu.sem_alloc : memref<!tpu.dma_semaphore, #tpu.memory_space<semaphore_mem>>
        %dma_start3A_302 = arith.constant 0 : i32
        %dma_start3A_303 = tpu.memref_slice %arg4[%add3A_301, %dma_start3A_302] : memref<532480x32xf32, #tpu.memory_space<hbm>> -> memref<1664x32xf32, #tpu.memory_space<hbm>>
        %dma_start3A_304 = arith.constant 0 : i32
        %dma_start3A_305 = tpu.memref_slice %arg4[%add3A_301, %dma_start3A_304] : memref<532480x32xf32, #tpu.memory_space<hbm>> -> memref<1664x32xf32, #tpu.memory_space<hbm>>
        tpu.enqueue_dma source(%arg7 : memref<1664x32xf32, #tpu.memory_space<vmem>>) target(%dma_start3A_305 : memref<1664x32xf32, #tpu.memory_space<hbm>>) target_semaphore(%run_scoped3A : memref<!tpu.dma_semaphore, #tpu.memory_space<semaphore_mem>>)
        %dma_wait3A_306 = arith.constant 0 : i32
        %dma_wait3A_307 = tpu.memref_slice %arg4[%add3A_301, %dma_wait3A_306] : memref<532480x32xf32, #tpu.memory_space<hbm>> -> memref<1664x32xf32, #tpu.memory_space<hbm>>
        %dma_wait3A_308 = arith.constant 0 : i32
        %dma_wait3A_309 = tpu.memref_slice %arg4[%add3A_301, %dma_wait3A_308] : memref<532480x32xf32, #tpu.memory_space<hbm>> -> memref<1664x32xf32, #tpu.memory_space<hbm>>
        tpu.wait_dma2 semaphore(%run_scoped3A : memref<!tpu.dma_semaphore, #tpu.memory_space<semaphore_mem>>) src(%arg7 : memref<1664x32xf32, #tpu.memory_space<vmem>>) dst(%dma_wait3A_309 : memref<1664x32xf32, #tpu.memory_space<hbm>>)
        tpu.yield
      }) : () -> ()
    }
    %scan3A_7 = arith.constant 10 : i32
    %mul3A_8 = arith.constant 31250 : i32
    %mul3A_9 = arith.muli %add3A, %mul3A_8 : i32
    %broadcast_in_dim3A = arith.constant 0.000000e+00 : f32
    %broadcast_in_dim3A_10 = vector.broadcast %broadcast_in_dim3A : f32 to vector<16xf32>
    %broadcast_in_dim3A_11 = arith.constant 0.000000e+00 : f32
    %broadcast_in_dim3A_12 = vector.broadcast %broadcast_in_dim3A_11 : f32 to vector<16xf32>
    %dma_start3A = arith.constant 0 : i32
    %dma_start3A_13 = tpu.memref_slice %arg2[%mul3A_9, %dma_start3A] : memref<1000000x32xf32, #tpu.memory_space<hbm>> -> memref<625x32xf32, #tpu.memory_space<hbm>>
    %dma_start3A_14 = arith.constant 0 : i32
    %dma_start3A_15 = tpu.memref_slice %arg2[%mul3A_9, %dma_start3A_14] : memref<1000000x32xf32, #tpu.memory_space<hbm>> -> memref<625x32xf32, #tpu.memory_space<hbm>>
    tpu.enqueue_dma source(%dma_start3A_15 : memref<625x32xf32, #tpu.memory_space<hbm>>) target(%arg8 : memref<625x32xf32, #tpu.memory_space<vmem>>) target_semaphore(%arg12 : memref<!tpu.dma_semaphore, #tpu.memory_space<semaphore_mem>>)
    %dma_wait3A = arith.constant 0 : i32
    %dma_wait3A_16 = tpu.memref_slice %arg2[%mul3A_9, %dma_wait3A] : memref<1000000x32xf32, #tpu.memory_space<hbm>> -> memref<625x32xf32, #tpu.memory_space<hbm>>
    %dma_wait3A_17 = arith.constant 0 : i32
    %dma_wait3A_18 = tpu.memref_slice %arg2[%mul3A_9, %dma_wait3A_17] : memref<1000000x32xf32, #tpu.memory_space<hbm>> -> memref<625x32xf32, #tpu.memory_space<hbm>>
    tpu.wait_dma2 semaphore(%arg12 : memref<!tpu.dma_semaphore, #tpu.memory_space<semaphore_mem>>) src(%dma_wait3A_18 : memref<625x32xf32, #tpu.memory_space<hbm>>) dst(%arg8 : memref<625x32xf32, #tpu.memory_space<vmem>>)
    %scan3A_19 = arith.constant 0 : i32
    %scan3A_20 = arith.constant 25 : i32
    %scan3A_21 = arith.addi %scan3A_19, %scan3A_20 : i32
    %scan3A_22 = arith.constant 1 : i32
    %scan3A_23:2 = scf.for %scan3A_36 = %scan3A_19 to %scan3A_21 step %scan3A_22 iter_args(%scan3A_37 = %broadcast_in_dim3A_10, %scan3A_38 = %broadcast_in_dim3A_12) -> (vector<16xf32>, vector<16xf32>)  : i32 {
      %mul3A_39 = arith.constant 2 : i32
      %mul3A_40 = arith.muli %mul3A_39, %scan3A_36 : i32
      %add3A_41 = arith.constant 1 : i32
      %add3A_42 = arith.addi %mul3A_40, %add3A_41 : i32
      %mul3A_43 = arith.constant 625 : i32
      %mul3A_44 = arith.muli %add3A_42, %mul3A_43 : i32
      %add3A_45 = arith.addi %mul3A_9, %mul3A_44 : i32
      %dma_start3A_46 = arith.constant 0 : i32
      %dma_start3A_47 = tpu.memref_slice %arg2[%add3A_45, %dma_start3A_46] : memref<1000000x32xf32, #tpu.memory_space<hbm>> -> memref<625x32xf32, #tpu.memory_space<hbm>>
      %dma_start3A_48 = arith.constant 0 : i32
      %dma_start3A_49 = tpu.memref_slice %arg2[%add3A_45, %dma_start3A_48] : memref<1000000x32xf32, #tpu.memory_space<hbm>> -> memref<625x32xf32, #tpu.memory_space<hbm>>
      tpu.enqueue_dma source(%dma_start3A_49 : memref<625x32xf32, #tpu.memory_space<hbm>>) target(%arg9 : memref<625x32xf32, #tpu.memory_space<vmem>>) target_semaphore(%arg13 : memref<!tpu.dma_semaphore, #tpu.memory_space<semaphore_mem>>)
      %scan3A_50 = arith.constant 0 : i32
      %scan3A_51 = arith.constant 125 : i32
      %scan3A_52 = arith.addi %scan3A_50, %scan3A_51 : i32
      %scan3A_53 = arith.constant 1 : i32
      %scan3A_54:2 = scf.for %scan3A_77 = %scan3A_50 to %scan3A_52 step %scan3A_53 iter_args(%scan3A_78 = %scan3A_37, %scan3A_79 = %scan3A_38) -> (vector<16xf32>, vector<16xf32>)  : i32 {
        %mul3A_80 = arith.constant 5 : i32
        %mul3A_81 = arith.muli %scan3A_77, %mul3A_80 : i32
        %add3A_82 = arith.constant 0 : i32
        %add3A_83 = arith.addi %mul3A_81, %add3A_82 : i32
        %get3A = arith.index_cast %add3A_83 : i32 to index
        %get3A_84 = arith.constant 0 : index
        %get3A_85 = tpu.vector_load %arg8[%get3A, %get3A_84] {strides = array<i32>} : memref<625x32xf32, #tpu.memory_space<vmem>>, vector<1x16xf32>,
        %get3A_86 = vector.shape_cast %get3A_85 : vector<1x16xf32> to vector<16xf32>
        %mul3A_87 = arith.mulf %get3A_86, %get3A_86 : vector<16xf32>
        %add3A_88 = arith.addf %scan3A_78, %mul3A_87 : vector<16xf32>
        %abs3A = math.absf %get3A_86 : vector<16xf32>
        %add3A_89 = arith.addf %scan3A_79, %abs3A : vector<16xf32>
        %get3A_90 = arith.index_cast %add3A_83 : i32 to index
        %get3A_91 = arith.constant 16 : index
        %get3A_92 = tpu.vector_load %arg8[%get3A_90, %get3A_91] {strides = array<i32>} : memref<625x32xf32, #tpu.memory_space<vmem>>, vector<1x16xf32>,
        %get3A_93 = vector.shape_cast %get3A_92 : vector<1x16xf32> to vector<16xf32>
        %mul3A_94 = arith.mulf %get3A_93, %get3A_93 : vector<16xf32>
        %add3A_95 = arith.addf %add3A_88, %mul3A_94 : vector<16xf32>
        %abs3A_96 = math.absf %get3A_93 : vector<16xf32>
        %add3A_97 = arith.addf %add3A_89, %abs3A_96 : vector<16xf32>
        %mul3A_98 = arith.constant 5 : i32
        %mul3A_99 = arith.muli %scan3A_77, %mul3A_98 : i32
        %add3A_100 = arith.constant 1 : i32
        %add3A_101 = arith.addi %mul3A_99, %add3A_100 : i32
        %get3A_102 = arith.index_cast %add3A_101 : i32 to index
        %get3A_103 = arith.constant 0 : index
        %get3A_104 = tpu.vector_load %arg8[%get3A_102, %get3A_103] {strides = array<i32>} : memref<625x32xf32, #tpu.memory_space<vmem>>, vector<1x16xf32>,
        %get3A_105 = vector.shape_cast %get3A_104 : vector<1x16xf32> to vector<16xf32>
        %mul3A_106 = arith.mulf %get3A_105, %get3A_105 : vector<16xf32>
        %add3A_107 = arith.addf %add3A_95, %mul3A_106 : vector<16xf32>
        %abs3A_108 = math.absf %get3A_105 : vector<16xf32>
        %add3A_109 = arith.addf %add3A_97, %abs3A_108 : vector<16xf32>
        %get3A_110 = arith.index_cast %add3A_101 : i32 to index
        %get3A_111 = arith.constant 16 : index
        %get3A_112 = tpu.vector_load %arg8[%get3A_110, %get3A_111] {strides = array<i32>} : memref<625x32xf32, #tpu.memory_space<vmem>>, vector<1x16xf32>,
        %get3A_113 = vector.shape_cast %get3A_112 : vector<1x16xf32> to vector<16xf32>
        %mul3A_114 = arith.mulf %get3A_113, %get3A_113 : vector<16xf32>
        %add3A_115 = arith.addf %add3A_107, %mul3A_114 : vector<16xf32>
        %abs3A_116 = math.absf %get3A_113 : vector<16xf32>
        %add3A_117 = arith.addf %add3A_109, %abs3A_116 : vector<16xf32>
        %mul3A_118 = arith.constant 5 : i32
        %mul3A_119 = arith.muli %scan3A_77, %mul3A_118 : i32
        %add3A_120 = arith.constant 2 : i32
        %add3A_121 = arith.addi %mul3A_119, %add3A_120 : i32
        %get3A_122 = arith.index_cast %add3A_121 : i32 to index
        %get3A_123 = arith.constant 0 : index
        %get3A_124 = tpu.vector_load %arg8[%get3A_122, %get3A_123] {strides = array<i32>} : memref<625x32xf32, #tpu.memory_space<vmem>>, vector<1x16xf32>,
        %get3A_125 = vector.shape_cast %get3A_124 : vector<1x16xf32> to vector<16xf32>
        %mul3A_126 = arith.mulf %get3A_125, %get3A_125 : vector<16xf32>
        %add3A_127 = arith.addf %add3A_115, %mul3A_126 : vector<16xf32>
        %abs3A_128 = math.absf %get3A_125 : vector<16xf32>
        %add3A_129 = arith.addf %add3A_117, %abs3A_128 : vector<16xf32>
        %get3A_130 = arith.index_cast %add3A_121 : i32 to index
        %get3A_131 = arith.constant 16 : index
        %get3A_132 = tpu.vector_load %arg8[%get3A_130, %get3A_131] {strides = array<i32>} : memref<625x32xf32, #tpu.memory_space<vmem>>, vector<1x16xf32>,
        %get3A_133 = vector.shape_cast %get3A_132 : vector<1x16xf32> to vector<16xf32>
        %mul3A_134 = arith.mulf %get3A_133, %get3A_133 : vector<16xf32>
        %add3A_135 = arith.addf %add3A_127, %mul3A_134 : vector<16xf32>
        %abs3A_136 = math.absf %get3A_133 : vector<16xf32>
        %add3A_137 = arith.addf %add3A_129, %abs3A_136 : vector<16xf32>
        %mul3A_138 = arith.constant 5 : i32
        %mul3A_139 = arith.muli %scan3A_77, %mul3A_138 : i32
        %add3A_140 = arith.constant 3 : i32
        %add3A_141 = arith.addi %mul3A_139, %add3A_140 : i32
        %get3A_142 = arith.index_cast %add3A_141 : i32 to index
        %get3A_143 = arith.constant 0 : index
        %get3A_144 = tpu.vector_load %arg8[%get3A_142, %get3A_143] {strides = array<i32>} : memref<625x32xf32, #tpu.memory_space<vmem>>, vector<1x16xf32>,
        %get3A_145 = vector.shape_cast %get3A_144 : vector<1x16xf32> to vector<16xf32>
        %mul3A_146 = arith.mulf %get3A_145, %get3A_145 : vector<16xf32>
        %add3A_147 = arith.addf %add3A_135, %mul3A_146 : vector<16xf32>
        %abs3A_148 = math.absf %get3A_145 : vector<16xf32>
        %add3A_149 = arith.addf %add3A_137, %abs3A_148 : vector<16xf32>
        %get3A_150 = arith.index_cast %add3A_141 : i32 to index
        %get3A_151 = arith.constant 16 : index
        %get3A_152 = tpu.vector_load %arg8[%get3A_150, %get3A_151] {strides = array<i32>} : memref<625x32xf32, #tpu.memory_space<vmem>>, vector<1x16xf32>,
        %get3A_153 = vector.shape_cast %get3A_152 : vector<1x16xf32> to vector<16xf32>
        %mul3A_154 = arith.mulf %get3A_153, %get3A_153 : vector<16xf32>
        %add3A_155 = arith.addf %add3A_147, %mul3A_154 : vector<16xf32>
        %abs3A_156 = math.absf %get3A_153 : vector<16xf32>
        %add3A_157 = arith.addf %add3A_149, %abs3A_156 : vector<16xf32>
        %mul3A_158 = arith.constant 5 : i32
        %mul3A_159 = arith.muli %scan3A_77, %mul3A_158 : i32
        %add3A_160 = arith.constant 4 : i32
        %add3A_161 = arith.addi %mul3A_159, %add3A_160 : i32
        %get3A_162 = arith.index_cast %add3A_161 : i32 to index
        %get3A_163 = arith.constant 0 : index
        %get3A_164 = tpu.vector_load %arg8[%get3A_162, %get3A_163] {strides = array<i32>} : memref<625x32xf32, #tpu.memory_space<vmem>>, vector<1x16xf32>,
        %get3A_165 = vector.shape_cast %get3A_164 : vector<1x16xf32> to vector<16xf32>
        %mul3A_166 = arith.mulf %get3A_165, %get3A_165 : vector<16xf32>
        %add3A_167 = arith.addf %add3A_155, %mul3A_166 : vector<16xf32>
        %abs3A_168 = math.absf %get3A_165 : vector<16xf32>
        %add3A_169 = arith.addf %add3A_157, %abs3A_168 : vector<16xf32>
        %get3A_170 = arith.index_cast %add3A_161 : i32 to index
        %get3A_171 = arith.constant 16 : index
        %get3A_172 = tpu.vector_load %arg8[%get3A_170, %get3A_171] {strides = array<i32>} : memref<625x32xf32, #tpu.memory_space<vmem>>, vector<1x16xf32>,
        %get3A_173 = vector.shape_cast %get3A_172 : vector<1x16xf32> to vector<16xf32>
        %mul3A_174 = arith.mulf %get3A_173, %get3A_173 : vector<16xf32>
        %add3A_175 = arith.addf %add3A_167, %mul3A_174 : vector<16xf32>
        %abs3A_176 = math.absf %get3A_173 : vector<16xf32>
        %add3A_177 = arith.addf %add3A_169, %abs3A_176 : vector<16xf32>
        scf.yield %add3A_175, %add3A_177 : vector<16xf32>, vector<16xf32>
      }
      %scan3A_55 = arith.constant 125 : i32
      %dma_wait3A_56 = arith.constant 0 : i32
      %dma_wait3A_57 = tpu.memref_slice %arg2[%add3A_45, %dma_wait3A_56] : memref<1000000x32xf32, #tpu.memory_space<hbm>> -> memref<625x32xf32, #tpu.memory_space<hbm>>
      %dma_wait3A_58 = arith.constant 0 : i32
      %dma_wait3A_59 = tpu.memref_slice %arg2[%add3A_45, %dma_wait3A_58] : memref<1000000x32xf32, #tpu.memory_space<hbm>> -> memref<625x32xf32, #tpu.memory_space<hbm>>
      tpu.wait_dma2 semaphore(%arg13 : memref<!tpu.dma_semaphore, #tpu.memory_space<semaphore_mem>>) src(%dma_wait3A_59 : memref<625x32xf32, #tpu.memory_space<hbm>>) dst(%arg9 : memref<625x32xf32, #tpu.memory_space<vmem>>)
      %add3A_60 = arith.constant 2 : i32
      %add3A_61 = arith.addi %mul3A_40, %add3A_60 : i32
      %lt3A = arith.constant 50 : i32
      %lt3A_62 = arith.cmpi slt, %add3A_61, %lt3A : i32
      %convert_element_type3A = arith.extui %lt3A_62 : i1 to i32
      %cond3A = arith.constant 0 : i32
      %cond3A_63 = arith.cmpi ne, %convert_element_type3A, %cond3A : i32
      scf.if %cond3A_63 {
        %add3A_77 = arith.constant 2 : i32
        %add3A_78 = arith.addi %mul3A_40, %add3A_77 : i32
        %mul3A_79 = arith.constant 625 : i32
        %mul3A_80 = arith.muli %add3A_78, %mul3A_79 : i32
        %add3A_81 = arith.addi %mul3A_9, %mul3A_80 : i32
        %dma_start3A_82 = arith.constant 0 : i32
        %dma_start3A_83 = tpu.memref_slice %arg2[%add3A_81, %dma_start3A_82] : memref<1000000x32xf32, #tpu.memory_space<hbm>> -> memref<625x32xf32, #tpu.memory_space<hbm>>
        %dma_start3A_84 = arith.constant 0 : i32
        %dma_start3A_85 = tpu.memref_slice %arg2[%add3A_81, %dma_start3A_84] : memref<1000000x32xf32, #tpu.memory_space<hbm>> -> memref<625x32xf32, #tpu.memory_space<hbm>>
        tpu.enqueue_dma source(%dma_start3A_85 : memref<625x32xf32, #tpu.memory_space<hbm>>) target(%arg8 : memref<625x32xf32, #tpu.memory_space<vmem>>) target_semaphore(%arg12 : memref<!tpu.dma_semaphore, #tpu.memory_space<semaphore_mem>>)
      } else {
      }
      %scan3A_64 = arith.constant 0 : i32
      %scan3A_65 = arith.constant 125 : i32
      %scan3A_66 = arith.addi %scan3A_64, %scan3A_65 : i32
      %scan3A_67 = arith.constant 1 : i32
      %scan3A_68:2 = scf.for %scan3A_77 = %scan3A_64 to %scan3A_66 step %scan3A_67 iter_args(%scan3A_78 = %scan3A_54#0, %scan3A_79 = %scan3A_54#1) -> (vector<16xf32>, vector<16xf32>)  : i32 {
        %mul3A_80 = arith.constant 5 : i32
        %mul3A_81 = arith.muli %scan3A_77, %mul3A_80 : i32
        %add3A_82 = arith.constant 0 : i32
        %add3A_83 = arith.addi %mul3A_81, %add3A_82 : i32
        %get3A = arith.index_cast %add3A_83 : i32 to index
        %get3A_84 = arith.constant 0 : index
        %get3A_85 = tpu.vector_load %arg9[%get3A, %get3A_84] {strides = array<i32>} : memref<625x32xf32, #tpu.memory_space<vmem>>, vector<1x16xf32>,
        %get3A_86 = vector.shape_cast %get3A_85 : vector<1x16xf32> to vector<16xf32>
        %mul3A_87 = arith.mulf %get3A_86, %get3A_86 : vector<16xf32>
        %add3A_88 = arith.addf %scan3A_78, %mul3A_87 : vector<16xf32>
        %abs3A = math.absf %get3A_86 : vector<16xf32>
        %add3A_89 = arith.addf %scan3A_79, %abs3A : vector<16xf32>
        %get3A_90 = arith.index_cast %add3A_83 : i32 to index
        %get3A_91 = arith.constant 16 : index
        %get3A_92 = tpu.vector_load %arg9[%get3A_90, %get3A_91] {strides = array<i32>} : memref<625x32xf32, #tpu.memory_space<vmem>>, vector<1x16xf32>,
        %get3A_93 = vector.shape_cast %get3A_92 : vector<1x16xf32> to vector<16xf32>
        %mul3A_94 = arith.mulf %get3A_93, %get3A_93 : vector<16xf32>
        %add3A_95 = arith.addf %add3A_88, %mul3A_94 : vector<16xf32>
        %abs3A_96 = math.absf %get3A_93 : vector<16xf32>
        %add3A_97 = arith.addf %add3A_89, %abs3A_96 : vector<16xf32>
        %mul3A_98 = arith.constant 5 : i32
        %mul3A_99 = arith.muli %scan3A_77, %mul3A_98 : i32
        %add3A_100 = arith.constant 1 : i32
        %add3A_101 = arith.addi %mul3A_99, %add3A_100 : i32
        %get3A_102 = arith.index_cast %add3A_101 : i32 to index
        %get3A_103 = arith.constant 0 : index
        %get3A_104 = tpu.vector_load %arg9[%get3A_102, %get3A_103] {strides = array<i32>} : memref<625x32xf32, #tpu.memory_space<vmem>>, vector<1x16xf32>,
        %get3A_105 = vector.shape_cast %get3A_104 : vector<1x16xf32> to vector<16xf32>
        %mul3A_106 = arith.mulf %get3A_105, %get3A_105 : vector<16xf32>
        %add3A_107 = arith.addf %add3A_95, %mul3A_106 : vector<16xf32>
        %abs3A_108 = math.absf %get3A_105 : vector<16xf32>
        %add3A_109 = arith.addf %add3A_97, %abs3A_108 : vector<16xf32>
        %get3A_110 = arith.index_cast %add3A_101 : i32 to index
        %get3A_111 = arith.constant 16 : index
        %get3A_112 = tpu.vector_load %arg9[%get3A_110, %get3A_111] {strides = array<i32>} : memref<625x32xf32, #tpu.memory_space<vmem>>, vector<1x16xf32>,
        %get3A_113 = vector.shape_cast %get3A_112 : vector<1x16xf32> to vector<16xf32>
        %mul3A_114 = arith.mulf %get3A_113, %get3A_113 : vector<16xf32>
        %add3A_115 = arith.addf %add3A_107, %mul3A_114 : vector<16xf32>
        %abs3A_116 = math.absf %get3A_113 : vector<16xf32>
        %add3A_117 = arith.addf %add3A_109, %abs3A_116 : vector<16xf32>
        %mul3A_118 = arith.constant 5 : i32
        %mul3A_119 = arith.muli %scan3A_77, %mul3A_118 : i32
        %add3A_120 = arith.constant 2 : i32
        %add3A_121 = arith.addi %mul3A_119, %add3A_120 : i32
        %get3A_122 = arith.index_cast %add3A_121 : i32 to index
        %get3A_123 = arith.constant 0 : index
        %get3A_124 = tpu.vector_load %arg9[%get3A_122, %get3A_123] {strides = array<i32>} : memref<625x32xf32, #tpu.memory_space<vmem>>, vector<1x16xf32>,
        %get3A_125 = vector.shape_cast %get3A_124 : vector<1x16xf32> to vector<16xf32>
        %mul3A_126 = arith.mulf %get3A_125, %get3A_125 : vector<16xf32>
        %add3A_127 = arith.addf %add3A_115, %mul3A_126 : vector<16xf32>
        %abs3A_128 = math.absf %get3A_125 : vector<16xf32>
        %add3A_129 = arith.addf %add3A_117, %abs3A_128 : vector<16xf32>
        %get3A_130 = arith.index_cast %add3A_121 : i32 to index
        %get3A_131 = arith.constant 16 : index
        %get3A_132 = tpu.vector_load %arg9[%get3A_130, %get3A_131] {strides = array<i32>} : memref<625x32xf32, #tpu.memory_space<vmem>>, vector<1x16xf32>,
        %get3A_133 = vector.shape_cast %get3A_132 : vector<1x16xf32> to vector<16xf32>
        %mul3A_134 = arith.mulf %get3A_133, %get3A_133 : vector<16xf32>
        %add3A_135 = arith.addf %add3A_127, %mul3A_134 : vector<16xf32>
        %abs3A_136 = math.absf %get3A_133 : vector<16xf32>
        %add3A_137 = arith.addf %add3A_129, %abs3A_136 : vector<16xf32>
        %mul3A_138 = arith.constant 5 : i32
        %mul3A_139 = arith.muli %scan3A_77, %mul3A_138 : i32
        %add3A_140 = arith.constant 3 : i32
        %add3A_141 = arith.addi %mul3A_139, %add3A_140 : i32
        %get3A_142 = arith.index_cast %add3A_141 : i32 to index
        %get3A_143 = arith.constant 0 : index
        %get3A_144 = tpu.vector_load %arg9[%get3A_142, %get3A_143] {strides = array<i32>} : memref<625x32xf32, #tpu.memory_space<vmem>>, vector<1x16xf32>,
        %get3A_145 = vector.shape_cast %get3A_144 : vector<1x16xf32> to vector<16xf32>
        %mul3A_146 = arith.mulf %get3A_145, %get3A_145 : vector<16xf32>
        %add3A_147 = arith.addf %add3A_135, %mul3A_146 : vector<16xf32>
        %abs3A_148 = math.absf %get3A_145 : vector<16xf32>
        %add3A_149 = arith.addf %add3A_137, %abs3A_148 : vector<16xf32>
        %get3A_150 = arith.index_cast %add3A_141 : i32 to index
        %get3A_151 = arith.constant 16 : index
        %get3A_152 = tpu.vector_load %arg9[%get3A_150, %get3A_151] {strides = array<i32>} : memref<625x32xf32, #tpu.memory_space<vmem>>, vector<1x16xf32>,
        %get3A_153 = vector.shape_cast %get3A_152 : vector<1x16xf32> to vector<16xf32>
        %mul3A_154 = arith.mulf %get3A_153, %get3A_153 : vector<16xf32>
        %add3A_155 = arith.addf %add3A_147, %mul3A_154 : vector<16xf32>
        %abs3A_156 = math.absf %get3A_153 : vector<16xf32>
        %add3A_157 = arith.addf %add3A_149, %abs3A_156 : vector<16xf32>
        %mul3A_158 = arith.constant 5 : i32
        %mul3A_159 = arith.muli %scan3A_77, %mul3A_158 : i32
        %add3A_160 = arith.constant 4 : i32
        %add3A_161 = arith.addi %mul3A_159, %add3A_160 : i32
        %get3A_162 = arith.index_cast %add3A_161 : i32 to index
        %get3A_163 = arith.constant 0 : index
        %get3A_164 = tpu.vector_load %arg9[%get3A_162, %get3A_163] {strides = array<i32>} : memref<625x32xf32, #tpu.memory_space<vmem>>, vector<1x16xf32>,
        %get3A_165 = vector.shape_cast %get3A_164 : vector<1x16xf32> to vector<16xf32>
        %mul3A_166 = arith.mulf %get3A_165, %get3A_165 : vector<16xf32>
        %add3A_167 = arith.addf %add3A_155, %mul3A_166 : vector<16xf32>
        %abs3A_168 = math.absf %get3A_165 : vector<16xf32>
        %add3A_169 = arith.addf %add3A_157, %abs3A_168 : vector<16xf32>
        %get3A_170 = arith.index_cast %add3A_161 : i32 to index
        %get3A_171 = arith.constant 16 : index
        %get3A_172 = tpu.vector_load %arg9[%get3A_170, %get3A_171] {strides = array<i32>} : memref<625x32xf32, #tpu.memory_space<vmem>>, vector<1x16xf32>,
        %get3A_173 = vector.shape_cast %get3A_172 : vector<1x16xf32> to vector<16xf32>
        %mul3A_174 = arith.mulf %get3A_173, %get3A_173 : vector<16xf32>
        %add3A_175 = arith.addf %add3A_167, %mul3A_174 : vector<16xf32>
        %abs3A_176 = math.absf %get3A_173 : vector<16xf32>
        %add3A_177 = arith.addf %add3A_169, %abs3A_176 : vector<16xf32>
        scf.yield %add3A_175, %add3A_177 : vector<16xf32>, vector<16xf32>
      }
      %scan3A_69 = arith.constant 125 : i32
      %add3A_70 = arith.constant 2 : i32
      %add3A_71 = arith.addi %mul3A_40, %add3A_70 : i32
      %lt3A_72 = arith.constant 50 : i32
      %lt3A_73 = arith.cmpi slt, %add3A_71, %lt3A_72 : i32
      %convert_element_type3A_74 = arith.extui %lt3A_73 : i1 to i32
      %cond3A_75 = arith.constant 0 : i32
      %cond3A_76 = arith.cmpi ne, %convert_element_type3A_74, %cond3A_75 : i32
      scf.if %cond3A_76 {
        %dma_wait3A_77 = arith.constant 0 : i32
        %dma_wait3A_78 = tpu.memref_slice %arg2[%mul3A_9, %dma_wait3A_77] : memref<1000000x32xf32, #tpu.memory_space<hbm>> -> memref<625x32xf32, #tpu.memory_space<hbm>>
        %dma_wait3A_79 = arith.constant 0 : i32
        %dma_wait3A_80 = tpu.memref_slice %arg2[%mul3A_9, %dma_wait3A_79] : memref<1000000x32xf32, #tpu.memory_space<hbm>> -> memref<625x32xf32, #tpu.memory_space<hbm>>
        tpu.wait_dma2 semaphore(%arg12 : memref<!tpu.dma_semaphore, #tpu.memory_space<semaphore_mem>>) src(%dma_wait3A_80 : memref<625x32xf32, #tpu.memory_space<hbm>>) dst(%arg8 : memref<625x32xf32, #tpu.memory_space<vmem>>)
      } else {
      }
      scf.yield %scan3A_68#0, %scan3A_68#1 : vector<16xf32>, vector<16xf32>
    }
    %scan3A_24 = arith.constant 25 : i32
    %swap3A = arith.constant 0 : i32
    %swap3A_25 = arith.index_cast %swap3A : i32 to index
    %swap3A_26 = arith.constant 0 : index
    %swap3A_27 = tpu.vector_load %arg10[%swap3A_25, %swap3A_26] {strides = array<i32>} : memref<2x16xf32, #tpu.memory_space<vmem>>, vector<1x16xf32>,
    %swap3A_28 = vector.shape_cast %swap3A_27 : vector<1x16xf32> to vector<16xf32>
    %swap3A_29 = vector.shape_cast %scan3A_23#0 : vector<16xf32> to vector<1x16xf32>
    tpu.vector_store %arg10[%swap3A_25, %swap3A_26], %swap3A_29 {strides = array<i32>} : memref<2x16xf32, #tpu.memory_space<vmem>>, vector<1x16xf32>,
    %swap3A_30 = arith.constant 1 : i32
    %swap3A_31 = arith.index_cast %swap3A_30 : i32 to index
    %swap3A_32 = arith.constant 0 : index
    %swap3A_33 = tpu.vector_load %arg10[%swap3A_31, %swap3A_32] {strides = array<i32>} : memref<2x16xf32, #tpu.memory_space<vmem>>, vector<1x16xf32>,
    %swap3A_34 = vector.shape_cast %swap3A_33 : vector<1x16xf32> to vector<16xf32>
    %swap3A_35 = vector.shape_cast %scan3A_23#1 : vector<16xf32> to vector<1x16xf32>
    tpu.vector_store %arg10[%swap3A_31, %swap3A_32], %swap3A_35 {strides = array<i32>} : memref<2x16xf32, #tpu.memory_space<vmem>>, vector<1x16xf32>,
    "tpu.region"() ({
      %run_scoped3A = tpu.sem_alloc : memref<!tpu.dma_semaphore, #tpu.memory_space<semaphore_mem>>
      %dma_start3A_36 = arith.constant 0 : i32
      %dma_start3A_37 = arith.constant 0 : i32
      %dma_start3A_38 = tpu.memref_slice %arg5[%add3A, %dma_start3A_36, %dma_start3A_37] : memref<32x2x16xf32, #tpu.memory_space<hbm>> -> memref<1x2x16xf32, #tpu.memory_space<hbm>>
      %dma_start3A_39 = tpu.memref_squeeze %dma_start3A_38 : memref<1x2x16xf32, #tpu.memory_space<hbm>> -> memref<2x16xf32, #tpu.memory_space<hbm>>
      %dma_start3A_40 = arith.constant 0 : i32
      %dma_start3A_41 = arith.constant 0 : i32
      %dma_start3A_42 = tpu.memref_slice %arg5[%add3A, %dma_start3A_40, %dma_start3A_41] : memref<32x2x16xf32, #tpu.memory_space<hbm>> -> memref<1x2x16xf32, #tpu.memory_space<hbm>>
      %dma_start3A_43 = tpu.memref_squeeze %dma_start3A_42 : memref<1x2x16xf32, #tpu.memory_space<hbm>> -> memref<2x16xf32, #tpu.memory_space<hbm>>
      tpu.enqueue_dma source(%arg10 : memref<2x16xf32, #tpu.memory_space<vmem>>) target(%dma_start3A_43 : memref<2x16xf32, #tpu.memory_space<hbm>>) target_semaphore(%run_scoped3A : memref<!tpu.dma_semaphore, #tpu.memory_space<semaphore_mem>>)
      %dma_wait3A_44 = arith.constant 0 : i32
      %dma_wait3A_45 = arith.constant 0 : i32
      %dma_wait3A_46 = tpu.memref_slice %arg5[%add3A, %dma_wait3A_44, %dma_wait3A_45] : memref<32x2x16xf32, #tpu.memory_space<hbm>> -> memref<1x2x16xf32, #tpu.memory_space<hbm>>
      %dma_wait3A_47 = tpu.memref_squeeze %dma_wait3A_46 : memref<1x2x16xf32, #tpu.memory_space<hbm>> -> memref<2x16xf32, #tpu.memory_space<hbm>>
      %dma_wait3A_48 = arith.constant 0 : i32
      %dma_wait3A_49 = arith.constant 0 : i32
      %dma_wait3A_50 = tpu.memref_slice %arg5[%add3A, %dma_wait3A_48, %dma_wait3A_49] : memref<32x2x16xf32, #tpu.memory_space<hbm>> -> memref<1x2x16xf32, #tpu.memory_space<hbm>>
      %dma_wait3A_51 = tpu.memref_squeeze %dma_wait3A_50 : memref<1x2x16xf32, #tpu.memory_space<hbm>> -> memref<2x16xf32, #tpu.memory_space<hbm>>
      tpu.wait_dma2 semaphore(%run_scoped3A : memref<!tpu.dma_semaphore, #tpu.memory_space<semaphore_mem>>) src(%arg10 : memref<2x16xf32, #tpu.memory_space<vmem>>) dst(%dma_wait3A_51 : memref<2x16xf32, #tpu.memory_space<hbm>>)
      tpu.yield
    }) : () -> ()
    return
  }
}

</mosaic_0001>

<sc_bundles>
// kernel: kernel.3.cloned.1.call-start
scs
__scs_entry_jumppad:
0x0: {  	(pc) =	sbr.rel $0x88, $3  }
0x1: {  	(tag) =	ssettag $0x0;
	lr =	simm.s32 $0x1  }
0x2: {  	[smem:$0x3F9F] =	sst lr;
	_ =	strace $0xD0000000  }
0x3: {  	_ = 	snop  }
0x4: {  	_ = 	snop  }
0x5: {  	_ = 	snop  }
0x6: {  	_ = 	snop  }
0x7: {  	_ = 	snop  }
__scs_overlays_trampoline_lowered:
0x8: {  	[smem:$0x3FAE] =	sst s0  }
0x9: {  	[smem:$0x3FAF] =	sst s1  }
0xa: {  	[smem:$0x3FB0] =	sst s2  }
0xb: {  	[smem:$0x3FB1] =	sst s3  }
0xc: {  	[smem:$0x3FB2] =	sst s4  }
0xd: {  	[smem:$0x3FB3] =	sst s5  }
0xe: {  	[smem:$0x3FB4] =	sst s6  }
0xf: {  	[smem:$0x3FB5] =	sst s7  }
0x10: {  	[smem:$0x3FB6] =	sst s8  }
0x11: {  	[smem:$0x3FB7] =	sst s9;
	s0 =	simm.s32 @!p0 $0x0  }
0x12: {  	s1 =	sld [smem:$0x3F9D];
	s0 =	simm.s32 @p0 $0x1  }
0x13: {  	[smem:$0x3FB8] =	sst s0;
	s0 =	simm.s32 @!p1 $0x0  }
0x14: {  	s2 =	sld [smem:$0x3F9C];
	s0 =	simm.s32 @p1 $0x1  }
0x15: {  	[smem:$0x3FB9] =	sst s0;
	s0 =	simm.s32 @!p2 $0x0  }
0x16: {  	s3 =	sld [smem:$0x3FDB];
	s0 =	simm.s32 @p2 $0x1  }
0x17: {  	s4 =	simm.s32 $0x1BF5;
	[smem:$0x3FBB] =	sst s0  }
0x18: {  	s0 =	sld [smem:$0x3F9E];
	_ =	swait.ge [sflag:s4], $0x0  }
0x19: {  	s7 =	sld [smem:$0x3F9F]  }
0x1a: {  	s8 =	sadd.s32 $0xFFFFE003, lr  }
0x1b: {  	s9 =	sadd.s32 $0xFFFFFEF7, lr;
	s5 =	simm.s32 $0xFFFFFFFF;
	p2 =	slt.u32 s8, $0xFFFFF086  }
0x1c: {  	p1 =	slt.u32 s9, $0xF7A;
	s5 =	simm.s32 @!p2 $0x0  }
0x1d: {  	s5 =	simm.s32 @p1 $0x1;
	p0 =	seq.s32 s7, s2  }
0x1e: {  	s7 =	smul.u32 @!p0 $0xF7A, s2;
	p2 =	seq.s32 @!p0 s5, $0x0  }
0x1f: {  	s9 =	smul.u32 $0xF7A, s1;
	s8 =	simm.s32 @!p0 $0x1BF5;
	p2 =	por !p2, p0  }
0x20: {  	[sflag:s8] =	ssyncset.s32 @!p0 $0xFFFFF086;
	s6 =	sadd.s32 @!p0 s3, s7;
	s7 =	simm.s32 @!p0 $0x108  }
0x21: {  	s3 =	sadd.s32 s3, s9;
	s6 =	sadd.s32 @!p0 $0x88, s6;
	s7 =	simm.s32 @p2 $0x1082  }
0x22: {  	[simem:s7], [sflag:s8] =	dma.local @!p0 [hbm:s6], $0xF7A  }
0x23: {  	s9 =	sor.u32 $0xD0000000, s2;
	s6 =	simm.s32 $0x108;
	_ =	swait.ge @!p0 [sflag:s8], $0x0  }
0x24: {  	s3 =	sadd.s32 $0x88, s3;
	s6 =	simm.s32 @!p1 $0x1082;
	[sflag:s4] =	ssyncset.s32 $0xFFFFF086  }
0x25: {  	[simem:s6], [sflag:s4] =	dma.local [hbm:s3], $0xF7A  }
0x26: {  	[smem:$0x3F9F] =	sst s1;
	(tag) =	ssettag s2;
	_ =	strace s9  }
0x27: {  	s1 =	sld [smem:$0x3FAF]  }
0x28: {  	s2 =	sld [smem:$0x3FB0]  }
0x29: {  	s4 =	sld [smem:$0x3FB2]  }
0x2a: {  	p0 =	seq.s32 s5, $0x0;
	s5 =	sld [smem:$0x3FB3]  }
0x2b: {  	s6 =	sld [smem:$0x3FB4]  }
0x2c: {  	s7 =	sld [smem:$0x3FB5]  }
0x2d: {  	s3 =	simm.s32 $0x108;
	s8 =	sld [smem:$0x3FB6]  }
0x2e: {  	s3 =	simm.s32 @!p0 $0x1082;
	s9 =	sld [smem:$0x3FB7]  }
0x2f: {  	lr =	sadd.s32 s0, s3;
	s0 =	sld [smem:$0x3FAE]  }
0x30: {  	s3 =	sld [smem:$0x3FB1]  }
0x31: {  	[smem:$0x3FBA] =	sst s10  }
0x32: {  	s10 =	sld [smem:$0x3FB8];
	_ =	sdelay $0x3  }
0x33: {  	p0 =	seq.s32 s10, $0x1;
	s10 =	sld [smem:$0x3FBA];
	_ =	sdelay $0x3  }
0x34: {  	[smem:$0x3FBA] =	sst s10  }
0x35: {  	s10 =	sld [smem:$0x3FB9];
	_ =	sdelay $0x3  }
0x36: {  	p1 =	seq.s32 s10, $0x1;
	s10 =	sld [smem:$0x3FBA];
	_ =	sdelay $0x3  }
0x37: {  	[smem:$0x3FBA] =	sst s10  }
0x38: {  	s10 =	sld [smem:$0x3FBB]  }
0x39: {  	_ = 	snop;
	(pc) =	sbr.ind lr, $3  }
0x3a: {  	_ = 	snop  }
0x3b: {  	_ = 	snop  }
0x3c: {  	p2 =	seq.s32 s10, $0x1;
	s10 =	sld [smem:$0x3FBA]  }
0x3d: {  	_ =	shalt  }
0x3e: {  	_ =	shalt  }
0x3f: {  	_ =	shalt  }
0x40: {  	_ =	shalt  }
0x41: {  	_ =	shalt  }
0x42: {  	_ =	shalt  }
0x43: {  	_ =	shalt  }
0x44: {  	_ =	shalt  }
0x45: {  	_ =	shalt  }
0x46: {  	_ =	shalt  }
0x47: {  	_ =	shalt  }
0x48: {  	_ =	shalt  }
0x49: {  	_ =	shalt  }
0x4a: {  	_ =	shalt  }
0x4b: {  	_ =	shalt  }
0x4c: {  	_ =	shalt  }
0x4d: {  	_ =	shalt  }
0x4e: {  	_ =	shalt  }
0x4f: {  	_ =	shalt  }
0x50: {  	_ =	shalt  }
0x51: {  	_ =	shalt  }
0x52: {  	_ =	shalt  }
0x53: {  	_ =	shalt  }
0x54: {  	_ =	shalt  }
0x55: {  	_ =	shalt  }
0x56: {  	_ =	shalt  }
0x57: {  	_ =	shalt  }
0x58: {  	_ =	shalt  }
0x59: {  	_ =	shalt  }
0x5a: {  	_ =	shalt  }
0x5b: {  	_ =	shalt  }
0x5c: {  	_ =	shalt  }
0x5d: {  	_ =	shalt  }
0x5e: {  	_ =	shalt  }
0x5f: {  	_ =	shalt  }
0x60: {  	_ =	shalt  }
0x61: {  	_ =	shalt  }
0x62: {  	_ =	shalt  }
0x63: {  	_ =	shalt  }
0x64: {  	_ =	shalt  }
0x65: {  	_ =	shalt  }
0x66: {  	_ =	shalt  }
0x67: {  	_ =	shalt  }
0x68: {  	_ =	shalt  }
0x69: {  	_ =	shalt  }
0x6a: {  	_ =	shalt  }
0x6b: {  	_ =	shalt  }
0x6c: {  	_ =	shalt  }
0x6d: {  	_ =	shalt  }
0x6e: {  	_ =	shalt  }
0x6f: {  	_ =	shalt  }
0x70: {  	_ =	shalt  }
0x71: {  	_ =	shalt  }
0x72: {  	_ =	shalt  }
0x73: {  	_ =	shalt  }
0x74: {  	_ =	shalt  }
0x75: {  	_ =	shalt  }
0x76: {  	_ =	shalt  }
0x77: {  	_ =	shalt  }
0x78: {  	_ =	shalt  }
0x79: {  	_ =	shalt  }
0x7a: {  	_ =	shalt  }
0x7b: {  	_ =	shalt  }
0x7c: {  	_ =	shalt  }
0x7d: {  	_ =	shalt  }
0x7e: {  	_ =	shalt  }
0x7f: {  	_ =	shalt  }
0x80: {  	_ =	shalt  }
0x81: {  	_ =	shalt  }
0x82: {  	_ =	shalt  }
0x83: {  	_ =	shalt  }
0x84: {  	_ =	shalt  }
0x85: {  	_ =	shalt  }
0x86: {  	_ =	shalt  }
0x87: {  	_ =	shalt  }
.Lfunc_end0:
.L_simem_size_0:
called_computation.1_lowered:
.L_overlay_start_0:
0x88: {  	s2 =	sld [smem:$0x3FD9]  }
0x89: {  	s3 =	sld [smem:$0x3FFE];
	_ =	sdelay $0x1  }
0x8a: {  	s1 =	srdreg.scid  }
0x8b: {  	s0 =	sand.u32 $0x1, s1  }
0x8c: {  	s14 =	sshll.u32 s0, $0xA;
	s2 =	sadd.s32 s3, s2  }
0x8d: {  	s2 =	sadd.s32 s2, s14  }
0x8e: {  	[smem:$0x3FC6] =	sst s2  }
0x8f: {  	_ = 	snop  }
0x90: {  	s2 =	sld [smem:$0x3FD0];
	_ =	sdelay $0x2  }
0x91: {  	s15 =	simm.s32 $0xA;
	s4 =	simm.s32 $0x10  }
0x92: {  	[smem:s4], [sflag:s15] =	dma.local [hbm:s2], $0x1  }
0x93: {  	_ =	swait.eq [sflag:s15], $0x1  }
0x94: {  	[sflag:s15] =	ssyncset.done $0x0  }
0x95: {  	[sflag:s15] =	ssyncadd.s32 $0xFFFFFFFF  }
0x96: {  	s16 =	sld [smem:$0x10];
	(tm) =	ssettm $0x1  }
0x97: {  	s17 =	sld [smem:$0x3FFB];
	_ =	sdelay $0x3  }
0x98: {  	_ =	strace s17  }
0x99: {  	s3 =	sld [smem:$0x3FFC];
	_ =	sdelay $0x3  }
0x9a: {  	_ =	strace s3  }
0x9b: {  	s3 =	sld [smem:$0x3FFD];
	_ =	sdelay $0x3  }
0x9c: {  	_ =	strace s3  }
0x9d: {  	_ =	strace $0x8FFFFFFF  }
0x9e: {  	s18 =	sld [smem:$0x3FDB];
	_ =	sdelay $0x1  }
0x9f: {  	s19 =	simm.s32 $_scs_section_size  }
0xa0: {  	s5 =	simm.s32 $_size__tile_overlayer_lowered;
	s6 =	simm.s32 $_tile_overlayer_lowered  }
0xa1: {  	s22 =	simm.s32 $0x1BFF;
	s21 =	sshll.u32 s6, $0x1;
	s3 =	sadd.s32 s19, s18  }
0xa2: {  	s7 =	simm.s32 $0x0;
	s20 =	sshll.u32 s5, $0x1;
	s5 =	sadd.s32 s21, s3  }
0xa3: {  	[timem:s7], [sflag:s22] =	dma.local [hbm:s5], s20  }
0xa4: {  	_ =	swait.ge [sflag:s22], s20  }
0xa5: {  	s4 =	ssub.s32 $0x0, s20;
	[sflag:s22] =	ssyncset.done $0x0  }
0xa6: {  	[sflag:s22] =	ssyncadd.s32 s4;
	_ =	sdelay $0x1  }
0xa7: {  	s23 =	simm.s32 $0x1B8B  }
0xa8: {  	_ =	swait.ge [sflag:s23], $0x1  }
0xa9: {  	[sflag:s23] =	ssyncset.done $0x0  }
0xaa: {  	s25 =	simm.s32 $0x1B8E;
	s24 =	sld [smem:$0x3FFE];
	[sflag:s23] =	ssyncadd.s32 $0xFFFFFFFF  }
0xab: {  	s26 =	simm.s32 $execute0_lowered;
	[smem:$0x3FD2] =	sst s25  }
0xac: {  	s5 =	sshll.u32 s26, $0x1;
	_ =	strace $0x80000046;
	[dreg:$0x1] =	wrdreg $0xFFFFFFFF  }
0xad: {  	s28 =	simm.s32 $_size_execute0_lowered;
	s3 =	sadd.s32 s3, s5;
	[dreg:$0x0] =	wrdreg $0x0  }
0xae: {  	s5 =	sshll.u32 s28, $0x1;
	[dreg:$0x2] =	wrdreg s3  }
0xaf: {  	[dreg:$0x3] =	wrdreg s5  }
0xb0: {  	[dreg:$0x4] =	wrdreg $0xC0  }
0xb1: {  	_ =	task [dreg:s7], $0x5FFFF  }
0xb2: {  	[dreg:$0x1] =	wrdreg $0xFFFFFFFF  }
0xb3: {  	[dreg:$0x0] =	wrdreg $0x60  }
0xb4: {  	[dreg:$0x2] =	wrdreg s24  }
0xb5: {  	[dreg:$0x3] =	wrdreg s16  }
0xb6: {  	[dreg:$0x4] =	wrdreg $0x9  }
0xb7: {  	_ =	task.clear_ibuf [dreg:s7], $0x5FFFF;
	_ =	strace $0x90000046  }
0xb8: {  	s29 =	simm.s32 $0x9;
	_ =	strace $0x80000048  }
0xb9: {  	_ =	swait.ge [sflag:s29], $0x1  }
0xba: {  	[sflag:s29] =	ssyncadd.s32 $0xFFFFFFFF  }
0xbb: {  	_ =	strace $0x90000048  }
0xbc: {  	_ =	sfence  }
0xbd: {  	s30 =	sld [smem:$0x0];
	_ =	sdelay $0x2  }
0xbe: {  	s31 =	sshll.u32 s1, $0xD;
	s1 =	sshrl.u32 s1, $0x2  }
0xbf: {  	s3 =	sand.u32 $0x4000, s31;
	s1 =	sadd.s32 s1, s30  }
0xc0: {  	s0 =	sor.u32 s3, s0;
	s1 =	sshll.u32 s1, $0x11  }
0xc1: {  	s0 =	sor.u32 s1, s0  }
0xc2: {  	s0 =	sadd.s32 $0x8F2B, s0  }
0xc3: {  	[sflag:s0] =	ssyncadd.remote.s32 $0x1  }
0xc4: {  	_ =	sfence.sel $0xFFFF  }
0xc5: {  	[dreg:$0x0] =	wrdreg $0xFFFFFFFF;
	(pc) =	sbr.abs _section_cstart, $3  }
0xc6: {  	[dreg:$0x1] =	wrdreg $0xFFFFFFFF  }
0xc7: {  	_ =	task.clear_ibuf [dreg:s7], $0x2FFFF;
	_ =	strace $0x9FFFFFFF  }
0xc8: {  	(tm) =	ssettm $0x7FFFFFFF  }
0xc9: {  	_ =	shalt  }
tec
execute0_lowered:
.L_overlay_start_1:
0x0: {  	(tag) =	ssettag $0x1  }
0x1: {  	s0 =	srdreg.scid;
	s1 =	rddreg [dreg:$0x0]  }
0x2: {  	s11 =	stileid.u32;
	s4 =	rddreg [dreg:$0x1];
	s30 =	simm.s32 $0x5100  }
0x3: {  	s12 =	simm.s32 $0x4100;
	s13 =	simm.s32 $0x6100;
	s14 =	simm.s32 $0x7100  }
0x4: {  	s15 =	simm.s32 $0x8100;
	s16 =	simm.s32 $0x9100;
	s17 =	simm.s32 $0xA100  }
0x5: {  	s18 =	simm.s32 $0xB100;
	s19 =	simm.s32 $0xC100;
	s20 =	simm.s32 $0xD100  }
0x6: {  	s21 =	simm.s32 $0xE100;
	s22 =	simm.s32 $0xF100;
	s23 =	simm.s32 $0x10100  }
0x7: {  	s24 =	simm.s32 $0x1;
	s28 =	simm.s32 $0x15F20;
	s29 =	simm.s32 $0x3  }
0x8: {  	s31 =	simm.s32 $0x0;
	s0 =	sand.u32 $0x1, s0;
	s2 =	sshll.u32 s11, $0x1  }
0x9: {  	s3 =	sadd.s32 $0xF42C00, s1;
	s26 =	smul.u32 $0x20800, s11;
	s5 =	sor.u32 s0, s2  }
0xa: {  	s2 =	simm.s32 $0x0;
	s7 =	ssub.s32 $0x2, s0;
	s0 =	smul.u32 $0x10400, s0  }
0xb: {  	s11 =	simm.s32 $0x80;
	s6 =	smul.u32 $0x4100, s5;
	[smem:$0x7FF] =	sst s2  }
0xc: {  	s8 =	smul.u32 $0x7A12, s5;
	s9 =	sshll.u32 s5, $0x2;
	s10 =	sshrl.u32 s7, $0x1  }
0xd: {  	s5 =	smul.u32 $0x1E848, s5;
	s4 =	sadd.s32 s26, s4;
	s26 =	simm.s32 $0x2  }
0xe: {  	_ =	strace $0x80000047;
	s25 =	ssub.s32 s7, s10;
	s0 =	sadd.s32 s0, s4  }
.Ltmp0:
0xf: {  	s10 =	simm.s32 $0x4;
	[dreg:$0x4] =	wrdreg s30;
	(pc) =	sbr.rel .LBB2_1-.Ltmp0, $4  }
0x10: {  	s6 =	sshrl.u32 s6, $0x3;
	s5 =	sadd.s32 s3, s5;
	s7 =	sadd.s32 $0x4E2, s8  }
0x11: {  	[dreg:$0x3] =	wrdreg s0;
	s6 =	sadd.s32 s6, s1;
	s1 =	sadd.s32 s9, s1  }
0x12: {  	[dreg:$0x6] =	wrdreg s5;
	s9 =	smax.u32 s25, $0x1;
	s6 =	sadd.s32 $0x800, s6  }
0x13: {  	[dreg:$0x5] =	wrdreg s6;
	s6 =	sadd.s32 $0x271, s8;
	s8 =	sadd.s32 $0x10C00, s1  }
.LBB2_10:
0x14: {  	s31 =	sadd.s32 $0x1, s31  }
0x15: {  	[tilespmem:$0x1AD40] =	vst v1;
	p0 =	sne.s32 s31, s9  }
.Ltmp1:
0x16: {  	[tilespmem:$0x1AD50] =	vst v0;
	s0 =	simm.s32 $0x1AD40;
	(pc) =	sbr.rel @!p0 .LBB2_11-.Ltmp1, $4  }
0x17: {  	[hbm4b:s8+s2] =	stream.linear.scatter [tilespmem:s0], [sflag:$0x4], $0x20, $0x38;
	[tilespmem:$0x1AD60] =	vst v63  }
0x18: {  	_ =	swait.ge [sflag:s10], $0x20  }
0x19: {  	[sflag:s10] =	ssyncset.done $0x0  }
0x1a: {  	[sflag:s10] =	ssyncadd.s32 $0xFFFFFFE0  }
.LBB2_1:
0x1b: {  	s0 =	rddreg [dreg:$0x5]  }
0x1c: {  	[tilespmem:s2], [sflag:$0x4] =	stream.linear.gather [hbm4b:s0+s2], $0x4100, $0x38;
	[tilespmem:$0x1AD60] =	vst v63  }
0x1d: {  	_ =	swait.ge [sflag:s10], $0x4100  }
0x1e: {  	[sflag:s10] =	ssyncset.done $0x0  }
0x1f: {  	s4 =	simm.s32 $0x0;
	[sflag:s10] =	ssyncadd.s32 $0xFFFFBF00  }
0x20: {  	[tilespmem:s12], [sflag:$0x1] =	stream.indirect.gather [hbm4b:s3+s11], $0x20, s4, s11, $0xb8;
	[tilespmem:$0x1AD60] =	vst v63  }
0x21: {  	s5 =	simm.s32 $0x80;
	s1 =	rddreg [dreg:$0x4]  }
0x22: {  	[tilespmem:s1], [sflag:$0x1] =	stream.indirect.gather [hbm4b:s3+s11], $0x20, s5, s11, $0xb8;
	[tilespmem:$0x1AD60] =	vst v63  }
0x23: {  	s25 =	simm.s32 $0x100  }
0x24: {  	[tilespmem:s13], [sflag:$0x1] =	stream.indirect.gather [hbm4b:s3+s11], $0x20, s25, s11, $0xb8;
	[tilespmem:$0x1AD60] =	vst v63  }
0x25: {  	s30 =	simm.s32 $0x180  }
0x26: {  	[tilespmem:s14], [sflag:$0x1] =	stream.indirect.gather [hbm4b:s3+s11], $0x20, s30, s11, $0xb8;
	[tilespmem:$0x1AD60] =	vst v63  }
0x27: {  	s1 =	simm.s32 $0x200  }
0x28: {  	[tilespmem:s15], [sflag:$0x1] =	stream.indirect.gather [hbm4b:s3+s11], $0x20, s1, s11, $0xb8;
	[tilespmem:$0x1AD60] =	vst v63  }
0x29: {  	s4 =	simm.s32 $0x280  }
0x2a: {  	[tilespmem:s16], [sflag:$0x1] =	stream.indirect.gather [hbm4b:s3+s11], $0x20, s4, s11, $0xb8;
	[tilespmem:$0x1AD60] =	vst v63  }
0x2b: {  	s5 =	simm.s32 $0x300  }
0x2c: {  	[tilespmem:s17], [sflag:$0x1] =	stream.indirect.gather [hbm4b:s3+s11], $0x20, s5, s11, $0xb8;
	[tilespmem:$0x1AD60] =	vst v63  }
0x2d: {  	s25 =	simm.s32 $0x380  }
0x2e: {  	[tilespmem:s18], [sflag:$0x1] =	stream.indirect.gather [hbm4b:s3+s11], $0x20, s25, s11, $0xb8;
	[tilespmem:$0x1AD60] =	vst v63  }
0x2f: {  	s30 =	simm.s32 $0x400  }
0x30: {  	[tilespmem:s19], [sflag:$0x1] =	stream.indirect.gather [hbm4b:s3+s11], $0x20, s30, s11, $0xb8;
	[tilespmem:$0x1AD60] =	vst v63  }
0x31: {  	s1 =	simm.s32 $0x480  }
0x32: {  	[tilespmem:s20], [sflag:$0x1] =	stream.indirect.gather [hbm4b:s3+s11], $0x20, s1, s11, $0xb8;
	[tilespmem:$0x1AD60] =	vst v63  }
0x33: {  	s4 =	simm.s32 $0x500  }
0x34: {  	[tilespmem:s21], [sflag:$0x1] =	stream.indirect.gather [hbm4b:s3+s11], $0x20, s4, s11, $0xb8;
	[tilespmem:$0x1AD60] =	vst v63  }
0x35: {  	s5 =	simm.s32 $0x580  }
0x36: {  	[tilespmem:s22], [sflag:$0x1] =	stream.indirect.gather [hbm4b:s3+s11], $0x20, s5, s11, $0xb8;
	[tilespmem:$0x1AD60] =	vst v63  }
0x37: {  	s25 =	simm.s32 $0x600  }
0x38: {  	[tilespmem:s23], [sflag:$0x1] =	stream.indirect.gather [hbm4b:s3+s11], $0x20, s25, s11, $0xb8;
	[tilespmem:$0x1AD60] =	vst v63  }
0x39: {  	_ =	swait.ge [sflag:s24], $0x1000  }
0x3a: {  	[sflag:s24] =	ssyncset.done $0x0  }
0x3b: {  	[sflag:s24] =	ssyncadd.s32 $0xFFFFF000  }
0x3c: {  	_ =	swait.ge [sflag:s24], $0x1000  }
0x3d: {  	[sflag:s24] =	ssyncset.done $0x0  }
0x3e: {  	[sflag:s24] =	ssyncadd.s32 $0xFFFFF000  }
0x3f: {  	_ =	swait.ge [sflag:s24], $0x1000  }
0x40: {  	[sflag:s24] =	ssyncset.done $0x0  }
0x41: {  	[sflag:s24] =	ssyncadd.s32 $0xFFFFF000  }
0x42: {  	_ =	swait.ge [sflag:s24], $0x1000  }
0x43: {  	[sflag:s24] =	ssyncset.done $0x0  }
0x44: {  	[sflag:s24] =	ssyncadd.s32 $0xFFFFF000  }
0x45: {  	_ =	swait.ge [sflag:s24], $0x1000  }
0x46: {  	[sflag:s24] =	ssyncset.done $0x0  }
0x47: {  	[sflag:s24] =	ssyncadd.s32 $0xFFFFF000  }
0x48: {  	_ =	swait.ge [sflag:s24], $0x1000  }
0x49: {  	[sflag:s24] =	ssyncset.done $0x0  }
0x4a: {  	[sflag:s24] =	ssyncadd.s32 $0xFFFFF000  }
0x4b: {  	_ =	swait.ge [sflag:s24], $0x1000  }
0x4c: {  	[sflag:s24] =	ssyncset.done $0x0  }
0x4d: {  	[sflag:s24] =	ssyncadd.s32 $0xFFFFF000  }
0x4e: {  	_ =	swait.ge [sflag:s24], $0x1000  }
0x4f: {  	[sflag:s24] =	ssyncset.done $0x0  }
0x50: {  	[sflag:s24] =	ssyncadd.s32 $0xFFFFF000  }
0x51: {  	_ =	swait.ge [sflag:s24], $0x1000  }
0x52: {  	[sflag:s24] =	ssyncset.done $0x0  }
0x53: {  	[sflag:s24] =	ssyncadd.s32 $0xFFFFF000  }
0x54: {  	_ =	swait.ge [sflag:s24], $0x1000  }
0x55: {  	[sflag:s24] =	ssyncset.done $0x0  }
0x56: {  	[sflag:s24] =	ssyncadd.s32 $0xFFFFF000  }
0x57: {  	_ =	swait.ge [sflag:s24], $0x1000  }
0x58: {  	[sflag:s24] =	ssyncset.done $0x0  }
0x59: {  	[sflag:s24] =	ssyncadd.s32 $0xFFFFF000  }
0x5a: {  	_ =	swait.ge [sflag:s24], $0x1000  }
0x5b: {  	[sflag:s24] =	ssyncset.done $0x0  }
0x5c: {  	[sflag:s24] =	ssyncadd.s32 $0xFFFFF000  }
0x5d: {  	_ =	swait.ge [sflag:s24], $0x1000  }
0x5e: {  	s30 =	rddreg [dreg:$0x3];
	[sflag:s24] =	ssyncset.done $0x0  }
0x5f: {  	[sflag:s24] =	ssyncadd.s32 $0xFFFFF000;
	s0 =	sadd.s32 $0x0, s30  }
0x60: {  	[hbm4b:s0+s2] =	stream.linear.scatter [tilespmem:s12], [sflag:$0x4], $0xD000, $0x38;
	[tilespmem:$0x1AD60] =	vst v63  }
0x61: {  	_ =	swait.ge [sflag:s10], $0xD000  }
0x62: {  	s1 =	simm.s32 $0x3400;
	s0 =	simm.s32 $0x1A00;
	[sflag:s10] =	ssyncset.done $0x0  }
.LBB2_2:
0x63: {  	s4 =	sshra.s32 s0, $0x2;
	[sflag:s10] =	ssyncadd.s32 $0xFFFF3000  }
0x64: {  	[tilespmem:s12], [sflag:$0x1] =	stream.indirect.gather [hbm4b:s3+s11], $0x20, s4, s11, $0xb8;
	[tilespmem:$0x1AD60] =	vst v63  }
0x65: {  	s30 =	rddreg [dreg:$0x4];
	s5 =	sadd.s32 $0x80, s4  }
0x66: {  	[tilespmem:s30], [sflag:$0x1] =	stream.indirect.gather [hbm4b:s3+s11], $0x20, s5, s11, $0xb8;
	[tilespmem:$0x1AD60] =	vst v63  }
0x67: {  	s30 =	sadd.s32 $0x100, s4  }
0x68: {  	[tilespmem:s13], [sflag:$0x1] =	stream.indirect.gather [hbm4b:s3+s11], $0x20, s30, s11, $0xb8;
	[tilespmem:$0x1AD60] =	vst v63  }
0x69: {  	s30 =	sadd.s32 $0x180, s4  }
0x6a: {  	[tilespmem:s14], [sflag:$0x1] =	stream.indirect.gather [hbm4b:s3+s11], $0x20, s30, s11, $0xb8;
	[tilespmem:$0x1AD60] =	vst v63  }
0x6b: {  	s30 =	sadd.s32 $0x200, s4  }
0x6c: {  	[tilespmem:s15], [sflag:$0x1] =	stream.indirect.gather [hbm4b:s3+s11], $0x20, s30, s11, $0xb8;
	[tilespmem:$0x1AD60] =	vst v63  }
0x6d: {  	s30 =	sadd.s32 $0x280, s4  }
0x6e: {  	[tilespmem:s16], [sflag:$0x1] =	stream.indirect.gather [hbm4b:s3+s11], $0x20, s30, s11, $0xb8;
	[tilespmem:$0x1AD60] =	vst v63  }
0x6f: {  	s30 =	sadd.s32 $0x300, s4  }
0x70: {  	[tilespmem:s17], [sflag:$0x1] =	stream.indirect.gather [hbm4b:s3+s11], $0x20, s30, s11, $0xb8;
	[tilespmem:$0x1AD60] =	vst v63  }
0x71: {  	s30 =	sadd.s32 $0x380, s4  }
0x72: {  	[tilespmem:s18], [sflag:$0x1] =	stream.indirect.gather [hbm4b:s3+s11], $0x20, s30, s11, $0xb8;
	[tilespmem:$0x1AD60] =	vst v63  }
0x73: {  	s30 =	sadd.s32 $0x400, s4  }
0x74: {  	[tilespmem:s19], [sflag:$0x1] =	stream.indirect.gather [hbm4b:s3+s11], $0x20, s30, s11, $0xb8;
	[tilespmem:$0x1AD60] =	vst v63  }
0x75: {  	s30 =	sadd.s32 $0x480, s4  }
0x76: {  	[tilespmem:s20], [sflag:$0x1] =	stream.indirect.gather [hbm4b:s3+s11], $0x20, s30, s11, $0xb8;
	[tilespmem:$0x1AD60] =	vst v63  }
0x77: {  	s30 =	sadd.s32 $0x500, s4  }
0x78: {  	[tilespmem:s21], [sflag:$0x1] =	stream.indirect.gather [hbm4b:s3+s11], $0x20, s30, s11, $0xb8;
	[tilespmem:$0x1AD60] =	vst v63  }
0x79: {  	s30 =	sadd.s32 $0x580, s4  }
0x7a: {  	[tilespmem:s22], [sflag:$0x1] =	stream.indirect.gather [hbm4b:s3+s11], $0x20, s30, s11, $0xb8;
	[tilespmem:$0x1AD60] =	vst v63  }
0x7b: {  	s4 =	sadd.s32 $0x600, s4  }
0x7c: {  	[tilespmem:s23], [sflag:$0x1] =	stream.indirect.gather [hbm4b:s3+s11], $0x20, s4, s11, $0xb8;
	[tilespmem:$0x1AD60] =	vst v63  }
0x7d: {  	_ =	swait.ge [sflag:s24], $0x1000  }
0x7e: {  	[sflag:s24] =	ssyncset.done $0x0  }
0x7f: {  	[sflag:s24] =	ssyncadd.s32 $0xFFFFF000  }
0x80: {  	_ =	swait.ge [sflag:s24], $0x1000  }
0x81: {  	[sflag:s24] =	ssyncset.done $0x0  }
0x82: {  	[sflag:s24] =	ssyncadd.s32 $0xFFFFF000  }
0x83: {  	_ =	swait.ge [sflag:s24], $0x1000  }
0x84: {  	[sflag:s24] =	ssyncset.done $0x0  }
0x85: {  	[sflag:s24] =	ssyncadd.s32 $0xFFFFF000  }
0x86: {  	_ =	swait.ge [sflag:s24], $0x1000  }
0x87: {  	[sflag:s24] =	ssyncset.done $0x0  }
0x88: {  	[sflag:s24] =	ssyncadd.s32 $0xFFFFF000  }
0x89: {  	_ =	swait.ge [sflag:s24], $0x1000  }
0x8a: {  	[sflag:s24] =	ssyncset.done $0x0  }
0x8b: {  	[sflag:s24] =	ssyncadd.s32 $0xFFFFF000  }
0x8c: {  	_ =	swait.ge [sflag:s24], $0x1000  }
0x8d: {  	[sflag:s24] =	ssyncset.done $0x0  }
0x8e: {  	[sflag:s24] =	ssyncadd.s32 $0xFFFFF000  }
0x8f: {  	_ =	swait.ge [sflag:s24], $0x1000  }
0x90: {  	[sflag:s24] =	ssyncset.done $0x0  }
0x91: {  	[sflag:s24] =	ssyncadd.s32 $0xFFFFF000  }
0x92: {  	_ =	swait.ge [sflag:s24], $0x1000  }
0x93: {  	[sflag:s24] =	ssyncset.done $0x0  }
0x94: {  	[sflag:s24] =	ssyncadd.s32 $0xFFFFF000  }
0x95: {  	_ =	swait.ge [sflag:s24], $0x1000  }
0x96: {  	[sflag:s24] =	ssyncset.done $0x0  }
0x97: {  	[sflag:s24] =	ssyncadd.s32 $0xFFFFF000  }
0x98: {  	_ =	swait.ge [sflag:s24], $0x1000  }
0x99: {  	[sflag:s24] =	ssyncset.done $0x0  }
0x9a: {  	[sflag:s24] =	ssyncadd.s32 $0xFFFFF000  }
0x9b: {  	_ =	swait.ge [sflag:s24], $0x1000  }
0x9c: {  	[sflag:s24] =	ssyncset.done $0x0  }
0x9d: {  	[sflag:s24] =	ssyncadd.s32 $0xFFFFF000  }
0x9e: {  	_ =	swait.ge [sflag:s24], $0x1000  }
0x9f: {  	[sflag:s24] =	ssyncset.done $0x0  }
0xa0: {  	[sflag:s24] =	ssyncadd.s32 $0xFFFFF000  }
0xa1: {  	p0 =	sne.s32 s1, $0xEA00;
	_ =	swait.ge [sflag:s24], $0x1000  }
.Ltmp2:
0xa2: {  	s30 =	rddreg [dreg:$0x3];
	[sflag:s24] =	ssyncset.done $0x0;
	(pc) =	sbr.rel @p0 .LBB2_2-.Ltmp2, $4  }
0xa3: {  	[sflag:s24] =	ssyncadd.s32 $0xFFFFF000;
	s4 =	sadd.s32 s0, s30  }
0xa4: {  	[hbm4b:s4+s2] =	stream.linear.scatter [tilespmem:s12], [sflag:$0x4], $0xD000, $0x38;
	[tilespmem:$0x1AD60] =	vst v63  }
0xa5: {  	s25 =	smov.u32 s1;
	_ =	swait.ge [sflag:s10], $0xD000  }
0xa6: {  	s1 =	sadd.s32 $0x1A00, s1;
	s0 =	smov.u32 s25;
	[sflag:s10] =	ssyncset.done $0x0  }
0xa7: {  	s1 =	sshra.s32 s0, $0x2;
	[sflag:s10] =	ssyncadd.s32 $0xFFFF3000  }
0xa8: {  	[tilespmem:s12], [sflag:$0x1] =	stream.indirect.gather [hbm4b:s3+s11], $0x20, s1, s11, $0xb8;
	[tilespmem:$0x1AD60] =	vst v63  }
0xa9: {  	s4 =	rddreg [dreg:$0x4];
	s5 =	sadd.s32 $0x80, s1  }
0xaa: {  	[tilespmem:s4], [sflag:$0x1] =	stream.indirect.gather [hbm4b:s3+s11], $0x20, s5, s11, $0xb8;
	[tilespmem:$0x1AD60] =	vst v63  }
0xab: {  	s30 =	sadd.s32 $0x100, s1  }
0xac: {  	[tilespmem:s13], [sflag:$0x1] =	stream.indirect.gather [hbm4b:s3+s11], $0x20, s30, s11, $0xb8;
	[tilespmem:$0x1AD60] =	vst v63  }
0xad: {  	s5 =	sadd.s32 $0x180, s1  }
0xae: {  	[tilespmem:s14], [sflag:$0x1] =	stream.indirect.gather [hbm4b:s3+s11], $0x20, s5, s11, $0xb8;
	[tilespmem:$0x1AD60] =	vst v63  }
0xaf: {  	s25 =	sadd.s32 $0x200, s1  }
0xb0: {  	[tilespmem:s15], [sflag:$0x1] =	stream.indirect.gather [hbm4b:s3+s11], $0x20, s25, s11, $0xb8;
	[tilespmem:$0x1AD60] =	vst v63  }
0xb1: {  	s30 =	sadd.s32 $0x280, s1  }
0xb2: {  	[tilespmem:s16], [sflag:$0x1] =	stream.indirect.gather [hbm4b:s3+s11], $0x20, s30, s11, $0xb8;
	[tilespmem:$0x1AD60] =	vst v63  }
0xb3: {  	s5 =	sadd.s32 $0x300, s1  }
0xb4: {  	[tilespmem:s17], [sflag:$0x1] =	stream.indirect.gather [hbm4b:s3+s11], $0x20, s5, s11, $0xb8;
	[tilespmem:$0x1AD60] =	vst v63  }
0xb5: {  	s25 =	sadd.s32 $0x380, s1  }
0xb6: {  	[tilespmem:s18], [sflag:$0x1] =	stream.indirect.gather [hbm4b:s3+s11], $0x20, s25, s11, $0xb8;
	[tilespmem:$0x1AD60] =	vst v63  }
0xb7: {  	s30 =	sadd.s32 $0x400, s1  }
0xb8: {  	[tilespmem:s19], [sflag:$0x1] =	stream.indirect.gather [hbm4b:s3+s11], $0x20, s30, s11, $0xb8;
	[tilespmem:$0x1AD60] =	vst v63  }
0xb9: {  	s5 =	sadd.s32 $0x480, s1  }
0xba: {  	[tilespmem:s20], [sflag:$0x1] =	stream.indirect.gather [hbm4b:s3+s11], $0x20, s5, s11, $0xb8;
	[tilespmem:$0x1AD60] =	vst v63  }
0xbb: {  	s25 =	sadd.s32 $0x500, s1  }
0xbc: {  	[tilespmem:s21], [sflag:$0x1] =	stream.indirect.gather [hbm4b:s3+s11], $0x20, s25, s11, $0xb8;
	[tilespmem:$0x1AD60] =	vst v63  }
0xbd: {  	s30 =	sadd.s32 $0x580, s1  }
0xbe: {  	[tilespmem:s22], [sflag:$0x1] =	stream.indirect.gather [hbm4b:s3+s11], $0x20, s30, s11, $0xb8;
	[tilespmem:$0x1AD60] =	vst v63  }
0xbf: {  	s1 =	sadd.s32 $0x600, s1  }
0xc0: {  	[tilespmem:s23], [sflag:$0x1] =	stream.indirect.gather [hbm4b:s3+s11], $0x20, s1, s11, $0xb8;
	[tilespmem:$0x1AD60] =	vst v63  }
0xc1: {  	_ =	swait.ge [sflag:s24], $0x1000  }
0xc2: {  	[sflag:s24] =	ssyncset.done $0x0  }
0xc3: {  	[sflag:s24] =	ssyncadd.s32 $0xFFFFF000  }
0xc4: {  	_ =	swait.ge [sflag:s24], $0x1000  }
0xc5: {  	[sflag:s24] =	ssyncset.done $0x0  }
0xc6: {  	[sflag:s24] =	ssyncadd.s32 $0xFFFFF000  }
0xc7: {  	_ =	swait.ge [sflag:s24], $0x1000  }
0xc8: {  	[sflag:s24] =	ssyncset.done $0x0  }
0xc9: {  	[sflag:s24] =	ssyncadd.s32 $0xFFFFF000  }
0xca: {  	_ =	swait.ge [sflag:s24], $0x1000  }
0xcb: {  	[sflag:s24] =	ssyncset.done $0x0  }
0xcc: {  	[sflag:s24] =	ssyncadd.s32 $0xFFFFF000  }
0xcd: {  	_ =	swait.ge [sflag:s24], $0x1000  }
0xce: {  	[sflag:s24] =	ssyncset.done $0x0  }
0xcf: {  	[sflag:s24] =	ssyncadd.s32 $0xFFFFF000  }
0xd0: {  	_ =	swait.ge [sflag:s24], $0x1000  }
0xd1: {  	[sflag:s24] =	ssyncset.done $0x0  }
0xd2: {  	[sflag:s24] =	ssyncadd.s32 $0xFFFFF000  }
0xd3: {  	_ =	swait.ge [sflag:s24], $0x1000  }
0xd4: {  	[sflag:s24] =	ssyncset.done $0x0  }
0xd5: {  	[sflag:s24] =	ssyncadd.s32 $0xFFFFF000  }
0xd6: {  	_ =	swait.ge [sflag:s24], $0x1000  }
0xd7: {  	[sflag:s24] =	ssyncset.done $0x0  }
0xd8: {  	[sflag:s24] =	ssyncadd.s32 $0xFFFFF000  }
0xd9: {  	_ =	swait.ge [sflag:s24], $0x1000  }
0xda: {  	[sflag:s24] =	ssyncset.done $0x0  }
0xdb: {  	[sflag:s24] =	ssyncadd.s32 $0xFFFFF000  }
0xdc: {  	_ =	swait.ge [sflag:s24], $0x1000  }
0xdd: {  	[sflag:s24] =	ssyncset.done $0x0  }
0xde: {  	[sflag:s24] =	ssyncadd.s32 $0xFFFFF000  }
0xdf: {  	_ =	swait.ge [sflag:s24], $0x1000  }
0xe0: {  	[sflag:s24] =	ssyncset.done $0x0  }
0xe1: {  	[sflag:s24] =	ssyncadd.s32 $0xFFFFF000  }
0xe2: {  	_ =	swait.ge [sflag:s24], $0x1000  }
0xe3: {  	[sflag:s24] =	ssyncset.done $0x0  }
0xe4: {  	[sflag:s24] =	ssyncadd.s32 $0xFFFFF000  }
0xe5: {  	_ =	swait.ge [sflag:s24], $0x1000  }
0xe6: {  	s4 =	rddreg [dreg:$0x3];
	[sflag:s24] =	ssyncset.done $0x0  }
0xe7: {  	[sflag:s24] =	ssyncadd.s32 $0xFFFFF000;
	s5 =	sadd.s32 s0, s4  }
0xe8: {  	[hbm4b:s5+s2] =	stream.linear.scatter [tilespmem:s12], [sflag:$0x4], $0xD000, $0x38;
	[tilespmem:$0x1AD60] =	vst v63  }
0xe9: {  	_ =	swait.ge [sflag:s10], $0xD000  }
0xea: {  	s30 =	simm.s32 $0x11100;
	[sflag:s10] =	ssyncset.done $0x0  }
0xeb: {  	s1 =	simm.s32 $0x0;
	s25 =	rddreg [dreg:$0x6];
	[sflag:s10] =	ssyncadd.s32 $0xFFFF3000  }
0xec: {  	[tilespmem:s30], [sflag:$0x2] =	stream.linear.gather [hbm4b:s25+s1], $0x4E20, $0x38;
	[tilespmem:$0x1AD60] =	vst v63  }
0xed: {  	_ =	swait.ge [sflag:s26], $0x4E20  }
0xee: {  	[sflag:s26] =	ssyncset.done $0x0  }
0xef: {  	v0 =	vimm.f32 $0.0e+00;
	v1 =	vimm.f32 $0.0e+00;
	s0 =	simm.s32 $0x0;
	[sflag:s26] =	ssyncadd.s32 $0xFFFFB1E0  }
.LBB2_4:
0xf0: {  	s25 =	smul.u32 $0x4E2, s0;
	_ =	sdelay $0x1  }
0xf1: {  	s4 =	sadd.s32 s25, s6  }
0xf2: {  	s4 =	sshll.u32 s4, $0x2  }
0xf3: {  	s4 =	sand.u32 $0x1FFFFFFC, s4  }
0xf4: {  	s5 =	simm.s32 $0x0;
	s4 =	sadd.s32 s3, s4  }
0xf5: {  	[tilespmem:s28], [sflag:$0x3] =	stream.linear.gather [hbm4b:s4+s1], $0x4E20, $0x38;
	[tilespmem:$0x1AD60] =	vst v63  }
0xf6: {  	v2 =	vld [tilespmem:s5+$0x11100];
	_ =	sdelay $0x1  }
0xf7: {  	v3 =	vld [tilespmem:s5+$0x11110];
	_ =	sdelay $0x1  }
0xf8: {  	v4 =	vld [tilespmem:s5+$0x11120]  }
0xf9: {  	v5 =	vmul.f32 v2, v2  }
0xfa: {  	v6 =	vld [tilespmem:s5+$0x11130];
	v2 =	vand.u32 $0x7FFFFFFF, v2  }
0xfb: {  	v0 =	vadd.f32 v2, v0;
	v2 =	vmul.f32 v3, v3;
	v1 =	vadd.f32 v5, v1  }
0xfc: {  	v3 =	vand.u32 $0x7FFFFFFF, v3  }
0xfd: {  	v5 =	vld [tilespmem:s5+$0x11140];
	v0 =	vadd.f32 v3, v0;
	v1 =	vadd.f32 v2, v1;
	v2 =	vmul.f32 v4, v4  }
0xfe: {  	v3 =	vand.u32 $0x7FFFFFFF, v4  }
0xff: {  	v4 =	vld [tilespmem:s5+$0x11150];
	v0 =	vadd.f32 v3, v0;
	v1 =	vadd.f32 v2, v1;
	v2 =	vmul.f32 v6, v6  }
0x100: {  	v3 =	vand.u32 $0x7FFFFFFF, v6  }
0x101: {  	v6 =	vld [tilespmem:s5+$0x11160];
	v1 =	vadd.f32 v2, v1;
	v2 =	vadd.f32 v3, v0  }
0x102: {  	v3 =	vmul.f32 v5, v5;
	v5 =	vand.u32 $0x7FFFFFFF, v5  }
0x103: {  	v0 =	vld [tilespmem:s5+$0x11170];
	v2 =	vadd.f32 v5, v2  }
0x104: {  	v1 =	vadd.f32 v3, v1;
	v3 =	vmul.f32 v4, v4;
	v4 =	vand.u32 $0x7FFFFFFF, v4  }
0x105: {  	v4 =	vadd.f32 v4, v2;
	v2 =	vld [tilespmem:s5+$0x11180]  }
0x106: {  	v5 =	vmul.f32 v6, v6;
	v3 =	vadd.f32 v3, v1  }
0x107: {  	v6 =	vand.u32 $0x7FFFFFFF, v6;
	v1 =	vld [tilespmem:s5+$0x11190]  }
0x108: {  	s30 =	simm.s32 $0xA0;
	s4 =	simm.s32 $0x500;
	v3 =	vadd.f32 v5, v3;
	v4 =	vadd.f32 v6, v4;
	v5 =	vmul.f32 v0, v0  }
.LBB2_5:
0x109: {  	p0 =	sne.s32 s4, $0x13600;
	v6 =	vld [tilespmem:s30+$0x11100];
	v0 =	vand.u32 $0x7FFFFFFF, v0  }
0x10a: {  	v3 =	vadd.f32 v5, v3;
	v0 =	vadd.f32 v0, v4;
	v4 =	vmul.f32 v2, v2  }
0x10b: {  	v2 =	vand.u32 $0x7FFFFFFF, v2;
	v5 =	vld [tilespmem:s30+$0x11110]  }
0x10c: {  	v3 =	vadd.f32 v4, v3;
	v0 =	vadd.f32 v2, v0;
	v2 =	vmul.f32 v1, v1  }
0x10d: {  	v1 =	vand.u32 $0x7FFFFFFF, v1;
	v4 =	vld [tilespmem:s30+$0x11120]  }
0x10e: {  	v7 =	vmul.f32 v6, v6;
	v2 =	vadd.f32 v2, v3;
	v0 =	vadd.f32 v1, v0  }
0x10f: {  	v1 =	vand.u32 $0x7FFFFFFF, v6;
	v3 =	vld [tilespmem:s30+$0x11130]  }
0x110: {  	v2 =	vadd.f32 v7, v2;
	v0 =	vadd.f32 v1, v0;
	v1 =	vmul.f32 v5, v5  }
0x111: {  	v5 =	vand.u32 $0x7FFFFFFF, v5;
	v6 =	vld [tilespmem:s30+$0x11140]  }
0x112: {  	v1 =	vadd.f32 v1, v2;
	v0 =	vadd.f32 v5, v0;
	v2 =	vmul.f32 v4, v4  }
0x113: {  	v4 =	vand.u32 $0x7FFFFFFF, v4;
	v5 =	vld [tilespmem:s30+$0x11150]  }
0x114: {  	v1 =	vadd.f32 v2, v1;
	v0 =	vadd.f32 v4, v0;
	v2 =	vmul.f32 v3, v3  }
0x115: {  	v3 =	vand.u32 $0x7FFFFFFF, v3;
	v4 =	vld [tilespmem:s30+$0x11160]  }
0x116: {  	v1 =	vadd.f32 v2, v1;
	v2 =	vadd.f32 v3, v0;
	v3 =	vmul.f32 v6, v6  }
0x117: {  	v6 =	vand.u32 $0x7FFFFFFF, v6;
	v0 =	vld [tilespmem:s30+$0x11170]  }
.Ltmp3:
0x118: {  	v1 =	vadd.f32 v3, v1;
	v3 =	vadd.f32 v6, v2;
	v6 =	vmul.f32 v5, v5;
	(pc) =	sbr.rel @p0 .LBB2_5-.Ltmp3, $4  }
0x119: {  	v5 =	vand.u32 $0x7FFFFFFF, v5;
	v2 =	vld [tilespmem:s30+$0x11180]  }
0x11a: {  	v6 =	vadd.f32 v6, v1;
	v5 =	vadd.f32 v5, v3;
	v3 =	vmul.f32 v4, v4  }
0x11b: {  	v4 =	vand.u32 $0x7FFFFFFF, v4;
	v1 =	vld [tilespmem:s30+$0x11190]  }
0x11c: {  	s30 =	sshra.s32 s4, $0x2;
	s4 =	sadd.s32 $0x280, s4;
	v3 =	vadd.f32 v3, v6;
	v4 =	vadd.f32 v4, v5;
	v5 =	vmul.f32 v0, v0  }
0x11d: {  	v6 =	vld [tilespmem:s30+$0x11100];
	v0 =	vand.u32 $0x7FFFFFFF, v0  }
0x11e: {  	v3 =	vadd.f32 v5, v3;
	v0 =	vadd.f32 v0, v4;
	v4 =	vmul.f32 v2, v2  }
0x11f: {  	v5 =	vld [tilespmem:s30+$0x11110];
	v2 =	vand.u32 $0x7FFFFFFF, v2  }
0x120: {  	v3 =	vadd.f32 v4, v3;
	v0 =	vadd.f32 v2, v0;
	v2 =	vmul.f32 v1, v1  }
0x121: {  	v4 =	vld [tilespmem:s30+$0x11120];
	v1 =	vand.u32 $0x7FFFFFFF, v1  }
0x122: {  	v7 =	vmul.f32 v6, v6;
	v2 =	vadd.f32 v2, v3;
	v0 =	vadd.f32 v1, v0  }
0x123: {  	v1 =	vand.u32 $0x7FFFFFFF, v6;
	v3 =	vld [tilespmem:s30+$0x11130]  }
0x124: {  	v2 =	vadd.f32 v7, v2;
	v0 =	vadd.f32 v1, v0;
	v1 =	vmul.f32 v5, v5  }
0x125: {  	v6 =	vld [tilespmem:s30+$0x11140];
	v5 =	vand.u32 $0x7FFFFFFF, v5  }
0x126: {  	v1 =	vadd.f32 v1, v2;
	v0 =	vadd.f32 v5, v0;
	v2 =	vmul.f32 v4, v4  }
0x127: {  	v5 =	vld [tilespmem:s30+$0x11150];
	v4 =	vand.u32 $0x7FFFFFFF, v4  }
0x128: {  	v1 =	vadd.f32 v2, v1;
	v0 =	vadd.f32 v4, v0;
	v2 =	vmul.f32 v3, v3  }
0x129: {  	v7 =	vld [tilespmem:s30+$0x11160];
	v3 =	vand.u32 $0x7FFFFFFF, v3  }
0x12a: {  	v1 =	vadd.f32 v2, v1;
	v0 =	vadd.f32 v3, v0;
	v2 =	vmul.f32 v6, v6  }
0x12b: {  	p0 =	seq.s32 s0, $0x18;
	v4 =	vld [tilespmem:s30+$0x11170];
	v6 =	vand.u32 $0x7FFFFFFF, v6  }
0x12c: {  	v8 =	vld [tilespmem:s30+$0x11180];
	s4 =	sadd.s32 @!p0 s25, s7;
	v1 =	vadd.f32 v2, v1;
	v0 =	vadd.f32 v6, v0;
	v2 =	vmul.f32 v5, v5  }
0x12d: {  	s5 =	simm.s32 @!p0 $0x0;
	s4 =	sshll.u32 @!p0 s4, $0x2;
	v3 =	vld [tilespmem:s30+$0x11190];
	_ =	swait.ge [sflag:s29], $0x4E20;
	v5 =	vand.u32 $0x7FFFFFFF, v5  }
0x12e: {  	s25 =	simm.s32 @!p0 $0x11100;
	s4 =	sand.u32 @!p0 $0x1FFFFFF8, s4;
	[sflag:s29] =	ssyncset.done $0x0;
	v1 =	vadd.f32 v2, v1;
	v0 =	vadd.f32 v5, v0;
	v2 =	vmul.f32 v7, v7  }
0x12f: {  	s4 =	sadd.s32 @!p0 s3, s4;
	s30 =	simm.s32 $0x0;
	[sflag:s29] =	ssyncadd.s32 $0xFFFFB1E0;
	v5 =	vand.u32 $0x7FFFFFFF, v7  }
0x130: {  	[tilespmem:s25], [sflag:$0x2] =	stream.linear.gather @!p0 [hbm4b:s4+s5], $0x4E20, $0x38;
	v1 =	vadd.f32 v2, v1;
	v0 =	vadd.f32 v5, v0;
	v2 =	vmul.f32 v4, v4;
	[tilespmem:$0x1AD60] =	vst v63  }
0x131: {  	v4 =	vand.u32 $0x7FFFFFFF, v4;
	v5 =	vld [tilespmem:s30+$0x15F20]  }
0x132: {  	v1 =	vadd.f32 v2, v1;
	v0 =	vadd.f32 v4, v0;
	v2 =	vmul.f32 v8, v8  }
0x133: {  	v6 =	vld [tilespmem:s30+$0x15F30];
	v4 =	vand.u32 $0x7FFFFFFF, v8  }
0x134: {  	v1 =	vadd.f32 v2, v1;
	v0 =	vadd.f32 v4, v0;
	v2 =	vmul.f32 v3, v3  }
0x135: {  	v3 =	vand.u32 $0x7FFFFFFF, v3;
	v4 =	vld [tilespmem:s30+$0x15F40]  }
0x136: {  	v1 =	vadd.f32 v2, v1;
	v0 =	vadd.f32 v3, v0;
	v2 =	vmul.f32 v5, v5  }
0x137: {  	v3 =	vand.u32 $0x7FFFFFFF, v5;
	v5 =	vld [tilespmem:s30+$0x15F50]  }
0x138: {  	v1 =	vadd.f32 v2, v1;
	v0 =	vadd.f32 v3, v0;
	v2 =	vmul.f32 v6, v6  }
0x139: {  	v3 =	vand.u32 $0x7FFFFFFF, v6  }
0x13a: {  	v6 =	vld [tilespmem:s30+$0x15F60];
	v1 =	vadd.f32 v2, v1;
	v0 =	vadd.f32 v3, v0;
	v2 =	vmul.f32 v4, v4  }
0x13b: {  	v3 =	vand.u32 $0x7FFFFFFF, v4  }
0x13c: {  	v4 =	vld [tilespmem:s30+$0x15F70];
	v1 =	vadd.f32 v2, v1;
	v0 =	vadd.f32 v3, v0;
	v2 =	vmul.f32 v5, v5  }
0x13d: {  	v3 =	vand.u32 $0x7FFFFFFF, v5  }
0x13e: {  	v5 =	vld [tilespmem:s30+$0x15F80];
	v1 =	vadd.f32 v2, v1;
	v2 =	vadd.f32 v3, v0  }
0x13f: {  	v3 =	vmul.f32 v6, v6;
	v6 =	vand.u32 $0x7FFFFFFF, v6  }
0x140: {  	v0 =	vld [tilespmem:s30+$0x15F90];
	v2 =	vadd.f32 v6, v2  }
0x141: {  	v1 =	vadd.f32 v3, v1;
	v3 =	vmul.f32 v4, v4;
	v4 =	vand.u32 $0x7FFFFFFF, v4  }
0x142: {  	v4 =	vadd.f32 v4, v2;
	v2 =	vld [tilespmem:s30+$0x15FA0]  }
0x143: {  	v6 =	vmul.f32 v5, v5;
	v3 =	vadd.f32 v3, v1  }
0x144: {  	v5 =	vand.u32 $0x7FFFFFFF, v5;
	v1 =	vld [tilespmem:s30+$0x15FB0]  }
0x145: {  	s25 =	simm.s32 $0xA0;
	s4 =	simm.s32 $0x500;
	v3 =	vadd.f32 v6, v3;
	v4 =	vadd.f32 v5, v4;
	v5 =	vmul.f32 v0, v0  }
.LBB2_7:
0x146: {  	p1 =	sne.s32 s4, $0x13600;
	v6 =	vld [tilespmem:s25+$0x15F20];
	v0 =	vand.u32 $0x7FFFFFFF, v0  }
0x147: {  	v3 =	vadd.f32 v5, v3;
	v0 =	vadd.f32 v0, v4;
	v4 =	vmul.f32 v2, v2  }
0x148: {  	v2 =	vand.u32 $0x7FFFFFFF, v2;
	v5 =	vld [tilespmem:s25+$0x15F30]  }
0x149: {  	v3 =	vadd.f32 v4, v3;
	v0 =	vadd.f32 v2, v0;
	v2 =	vmul.f32 v1, v1  }
0x14a: {  	v1 =	vand.u32 $0x7FFFFFFF, v1;
	v4 =	vld [tilespmem:s25+$0x15F40]  }
0x14b: {  	v7 =	vmul.f32 v6, v6;
	v2 =	vadd.f32 v2, v3;
	v0 =	vadd.f32 v1, v0  }
0x14c: {  	v1 =	vand.u32 $0x7FFFFFFF, v6;
	v3 =	vld [tilespmem:s25+$0x15F50]  }
0x14d: {  	v2 =	vadd.f32 v7, v2;
	v0 =	vadd.f32 v1, v0;
	v1 =	vmul.f32 v5, v5  }
0x14e: {  	v5 =	vand.u32 $0x7FFFFFFF, v5;
	v6 =	vld [tilespmem:s25+$0x15F60]  }
0x14f: {  	v1 =	vadd.f32 v1, v2;
	v0 =	vadd.f32 v5, v0;
	v2 =	vmul.f32 v4, v4  }
0x150: {  	v4 =	vand.u32 $0x7FFFFFFF, v4;
	v5 =	vld [tilespmem:s25+$0x15F70]  }
0x151: {  	v1 =	vadd.f32 v2, v1;
	v0 =	vadd.f32 v4, v0;
	v2 =	vmul.f32 v3, v3  }
0x152: {  	v3 =	vand.u32 $0x7FFFFFFF, v3;
	v4 =	vld [tilespmem:s25+$0x15F80]  }
0x153: {  	v1 =	vadd.f32 v2, v1;
	v2 =	vadd.f32 v3, v0;
	v3 =	vmul.f32 v6, v6  }
0x154: {  	v6 =	vand.u32 $0x7FFFFFFF, v6;
	v0 =	vld [tilespmem:s25+$0x15F90]  }
.Ltmp4:
0x155: {  	v1 =	vadd.f32 v3, v1;
	v3 =	vadd.f32 v6, v2;
	v6 =	vmul.f32 v5, v5;
	(pc) =	sbr.rel @p1 .LBB2_7-.Ltmp4, $4  }
0x156: {  	v5 =	vand.u32 $0x7FFFFFFF, v5;
	v2 =	vld [tilespmem:s25+$0x15FA0]  }
0x157: {  	v6 =	vadd.f32 v6, v1;
	v5 =	vadd.f32 v5, v3;
	v3 =	vmul.f32 v4, v4  }
0x158: {  	v4 =	vand.u32 $0x7FFFFFFF, v4;
	v1 =	vld [tilespmem:s25+$0x15FB0]  }
0x159: {  	s25 =	sshra.s32 s4, $0x2;
	s4 =	sadd.s32 $0x280, s4;
	v3 =	vadd.f32 v3, v6;
	v4 =	vadd.f32 v4, v5;
	v5 =	vmul.f32 v0, v0  }
0x15a: {  	v6 =	vld [tilespmem:s25+$0x15F20];
	v0 =	vand.u32 $0x7FFFFFFF, v0  }
0x15b: {  	v3 =	vadd.f32 v5, v3;
	v0 =	vadd.f32 v0, v4;
	v55 =	vmul.f32 v2, v2  }
0x15c: {  	v56 =	vld [tilespmem:s25+$0x15F30];
	v2 =	vand.u32 $0x7FFFFFFF, v2  }
0x15d: {  	v3 =	vadd.f32 v55, v3;
	v0 =	vadd.f32 v2, v0;
	v2 =	vmul.f32 v1, v1  }
0x15e: {  	v57 =	vld [tilespmem:s25+$0x15F40];
	v1 =	vand.u32 $0x7FFFFFFF, v1  }
0x15f: {  	v7 =	vmul.f32 v6, v6;
	v2 =	vadd.f32 v2, v3;
	v0 =	vadd.f32 v1, v0  }
0x160: {  	v1 =	vand.u32 $0x7FFFFFFF, v6;
	v3 =	vld [tilespmem:s25+$0x15F50]  }
0x161: {  	v2 =	vadd.f32 v7, v2;
	v0 =	vadd.f32 v1, v0;
	v1 =	vmul.f32 v56, v56  }
0x162: {  	v58 =	vld [tilespmem:s25+$0x15F60];
	v5 =	vand.u32 $0x7FFFFFFF, v56  }
0x163: {  	v1 =	vadd.f32 v1, v2;
	v0 =	vadd.f32 v5, v0;
	v2 =	vmul.f32 v57, v57  }
0x164: {  	v59 =	vld [tilespmem:s25+$0x15F70];
	v4 =	vand.u32 $0x7FFFFFFF, v57  }
0x165: {  	v1 =	vadd.f32 v2, v1;
	v0 =	vadd.f32 v4, v0;
	v2 =	vmul.f32 v3, v3  }
0x166: {  	v60 =	vld [tilespmem:s25+$0x15F80];
	v3 =	vand.u32 $0x7FFFFFFF, v3  }
0x167: {  	v1 =	vadd.f32 v2, v1;
	v0 =	vadd.f32 v3, v0;
	v2 =	vmul.f32 v58, v58  }
0x168: {  	v61 =	vld [tilespmem:s25+$0x15F90];
	v3 =	vand.u32 $0x7FFFFFFF, v58  }
0x169: {  	v1 =	vadd.f32 v2, v1;
	v0 =	vadd.f32 v3, v0;
	v2 =	vmul.f32 v59, v59  }
0x16a: {  	v62 =	vld [tilespmem:s25+$0x15FA0];
	v3 =	vand.u32 $0x7FFFFFFF, v59  }
0x16b: {  	v1 =	vadd.f32 v2, v1;
	v0 =	vadd.f32 v3, v0;
	v2 =	vmul.f32 v60, v60  }
0x16c: {  	v63 =	vld [tilespmem:s25+$0x15FB0];
	v3 =	vand.u32 $0x7FFFFFFF, v60  }
0x16d: {  	v1 =	vadd.f32 v2, v1;
	v0 =	vadd.f32 v3, v0;
	v2 =	vmul.f32 v61, v61  }
0x16e: {  	v3 =	vand.u32 $0x7FFFFFFF, v61  }
.Ltmp5:
0x16f: {  	v1 =	vadd.f32 v2, v1;
	v0 =	vadd.f32 v3, v0;
	v2 =	vmul.f32 v62, v62;
	(pc) =	sbr.rel @p0 .LBB2_10-.Ltmp5, $4  }
0x170: {  	v3 =	vand.u32 $0x7FFFFFFF, v62  }
0x171: {  	v1 =	vadd.f32 v2, v1;
	v0 =	vadd.f32 v3, v0;
	v2 =	vmul.f32 v63, v63  }
0x172: {  	v3 =	vand.u32 $0x7FFFFFFF, v63  }
0x173: {  	v1 =	vadd.f32 v2, v1;
	v0 =	vadd.f32 v3, v0  }
.Ltmp6:
0x174: {  	(pc) =	sbr.rel .LBB2_4-.Ltmp6, $4  }
0x175: {  	_ = 	snop  }
0x176: {  	_ =	swait.ge [sflag:s26], $0x4E20  }
0x177: {  	[sflag:s26] =	ssyncset.done $0x0  }
0x178: {  	s0 =	sadd.s32 $0x1, s0;
	[sflag:s26] =	ssyncadd.s32 $0xFFFFB1E0  }
.LBB2_11:
0x179: {  	_ =	sfence.sel $0x180000  }
0x17a: {  	[bflag:$0x0] =	sbarrier.arrive $0xFFFF  }
0x17b: {  	_ =	strace $0x90000047  }
0x17c: {  	s0 =	stileid.u32;
	[bflag:$0x2] =	sbarrier.arrive $0xFFFF  }
0x17d: {  	p0 =	sne.s32 s0, $0x0;
	s0 =	rddreg [dreg:$0x2]  }
0x17e: {  	s0 =	sadd.s32 @!p0 $0x100000, s0  }
0x17f: {  	[sflag:s0] =	ssyncadd.tile.s32 @!p0 $0x1;
	_ =	shalt  }
.Lfunc_end2:
_tile_overlayer_lowered:
.L_overlay_start_2:
0x180: {  	(tag) =	ssettag $0x2  }
0x181: {  	s0 =	rddreg [dreg:$0x0];
	s2 =	stileid.u32  }
0x182: {  	s1 =	rddreg [dreg:$0x1];
	p0 =	sne.s32 s2, $0x0  }
0x183: {  	s3 =	rddreg [dreg:$0x2];
	[bflag:$0x3] =	sbarrier.arrive $0xFFFF;
	s2 =	simm.s32 @!p0 $0x1C04  }
0x184: {  	[timem:s3], [sflag:s2] =	dma.local @!p0 [hbm:s0], s1  }
0x185: {  	s0 =	simm.s32 @!p0 $0x4  }
0x186: {  	_ =	swait.ge @!p0 [sflag:s0], s1  }
0x187: {  	s1 =	ssub.s32 @!p0 $0x0, s1;
	[sflag:s0] =	ssyncset.done @!p0 $0x0  }
0x188: {  	[sflag:s0] =	ssyncadd.s32 @!p0 s1  }
0x189: {  	[bflag:$0x3] =	sbarrier.arrive $0xFFFF  }
0x18a: {  	_ =	shalt  }

// kernel: sparse-core-data-format-call.cloned.1.call-start
scs
called_computation_lowered:
.L_overlay_start_0:
0x0: {  	s2 =	sld [smem:$0x3FD9]  }
0x1: {  	s3 =	sld [smem:$0x3FFE];
	_ =	sdelay $0x1  }
0x2: {  	s1 =	srdreg.scid  }
0x3: {  	s0 =	sand.u32 $0x1, s1  }
0x4: {  	s15 =	sshll.u32 s0, $0xA;
	s2 =	sadd.s32 s3, s2  }
0x5: {  	s2 =	sadd.s32 s2, s15  }
0x6: {  	[smem:$0x3FC6] =	sst s2  }
0x7: {  	_ = 	snop  }
0x8: {  	s2 =	sld [smem:$0x3FD0];
	_ =	sdelay $0x2  }
0x9: {  	s16 =	simm.s32 $0xA;
	s4 =	simm.s32 $0x10  }
0xa: {  	[smem:s4], [sflag:s16] =	dma.local [hbm:s2], $0x1  }
0xb: {  	_ =	swait.eq [sflag:s16], $0x1  }
0xc: {  	[sflag:s16] =	ssyncset.done $0x0  }
0xd: {  	[sflag:s16] =	ssyncadd.s32 $0xFFFFFFFF  }
0xe: {  	s17 =	sld [smem:$0x10];
	(tm) =	ssettm $0x1  }
0xf: {  	s18 =	sld [smem:$0x3FFB];
	_ =	sdelay $0x3  }
0x10: {  	_ =	strace s18  }
0x11: {  	s3 =	sld [smem:$0x3FFC];
	_ =	sdelay $0x3  }
0x12: {  	_ =	strace s3  }
0x13: {  	s3 =	sld [smem:$0x3FFD];
	_ =	sdelay $0x3  }
0x14: {  	_ =	strace s3  }
0x15: {  	_ =	strace $0x8FFFFFFF  }
0x16: {  	s19 =	sld [smem:$0x3FDB];
	_ =	sdelay $0x1  }
0x17: {  	s20 =	simm.s32 $_scs_section_size  }
0x18: {  	s5 =	simm.s32 $_size__tile_overlayer_lowered;
	s6 =	simm.s32 $_tile_overlayer_lowered  }
0x19: {  	s23 =	simm.s32 $0x1BFF;
	s22 =	sshll.u32 s6, $0x1;
	s3 =	sadd.s32 s20, s19  }
0x1a: {  	s7 =	simm.s32 $0x0;
	s21 =	sshll.u32 s5, $0x1;
	s5 =	sadd.s32 s22, s3  }
0x1b: {  	[timem:s7], [sflag:s23] =	dma.local [hbm:s5], s21  }
0x1c: {  	_ =	swait.ge [sflag:s23], s21  }
0x1d: {  	s4 =	ssub.s32 $0x0, s21;
	[sflag:s23] =	ssyncset.done $0x0  }
0x1e: {  	[sflag:s23] =	ssyncadd.s32 s4;
	_ =	sdelay $0x1  }
0x1f: {  	s24 =	simm.s32 $0x1B8B  }
0x20: {  	_ =	swait.ge [sflag:s24], $0x1  }
0x21: {  	[sflag:s24] =	ssyncset.done $0x0  }
0x22: {  	s26 =	simm.s32 $0x1B8E;
	s25 =	sld [smem:$0x3FFE];
	[sflag:s24] =	ssyncadd.s32 $0xFFFFFFFF  }
0x23: {  	s27 =	simm.s32 $execute0_lowered;
	[smem:$0x3FD2] =	sst s26  }
0x24: {  	s5 =	sshll.u32 s27, $0x1;
	_ =	strace $0x80000049;
	[dreg:$0x1] =	wrdreg $0xFFFFFFFF  }
0x25: {  	s28 =	simm.s32 $_size_execute0_lowered;
	s3 =	sadd.s32 s3, s5;
	[dreg:$0x0] =	wrdreg $0x0  }
0x26: {  	s5 =	sshll.u32 s28, $0x1;
	[dreg:$0x2] =	wrdreg s3  }
0x27: {  	[dreg:$0x3] =	wrdreg s5  }
0x28: {  	[dreg:$0x4] =	wrdreg $0xC0  }
0x29: {  	_ =	task [dreg:s7], $0x5FFFF  }
0x2a: {  	[dreg:$0x1] =	wrdreg $0xFFFFFFFF  }
0x2b: {  	[dreg:$0x0] =	wrdreg $0x60  }
0x2c: {  	[dreg:$0x2] =	wrdreg s25  }
0x2d: {  	[dreg:$0x3] =	wrdreg s17  }
0x2e: {  	[dreg:$0x4] =	wrdreg $0x9  }
0x2f: {  	_ =	task.clear_ibuf [dreg:s7], $0x5FFFF;
	_ =	strace $0x90000049  }
0x30: {  	s29 =	simm.s32 $0x9;
	_ =	strace $0x8000004B  }
0x31: {  	_ =	swait.ge [sflag:s29], $0x1  }
0x32: {  	[sflag:s29] =	ssyncadd.s32 $0xFFFFFFFF  }
0x33: {  	_ =	strace $0x9000004B  }
0x34: {  	_ =	sfence  }
0x35: {  	s30 =	sld [smem:$0x0];
	_ =	sdelay $0x2  }
0x36: {  	s31 =	sshll.u32 s1, $0xD;
	s1 =	sshrl.u32 s1, $0x2  }
0x37: {  	s3 =	sand.u32 $0x4000, s31;
	s1 =	sadd.s32 s1, s30  }
0x38: {  	s0 =	sor.u32 s3, s0;
	s1 =	sshll.u32 s1, $0x11  }
0x39: {  	s0 =	sor.u32 s1, s0  }
0x3a: {  	s0 =	sadd.s32 $0x8F2B, s0  }
0x3b: {  	[sflag:s0] =	ssyncadd.remote.s32 $0x1  }
0x3c: {  	_ =	sfence.sel $0xFFFF  }
0x3d: {  	[dreg:$0x0] =	wrdreg $0xFFFFFFFF;
	(pc) =	sbr.abs _section_cstart, $3  }
0x3e: {  	[dreg:$0x1] =	wrdreg $0xFFFFFFFF  }
0x3f: {  	_ =	task.clear_ibuf [dreg:s7], $0x2FFFF;
	_ =	strace $0x9FFFFFFF  }
0x40: {  	(tm) =	ssettm $0x7FFFFFFF  }
0x41: {  	_ =	shalt  }
tec
execute0_lowered:
.L_overlay_start_1:
0x0: {  	(tag) =	ssettag $0x1  }
0x1: {  	s0 =	srdreg.scid;
	s6 =	rddreg [dreg:$0x0]  }
0x2: {  	s3 =	rddreg [dreg:$0x1];
	s1 =	sshll.u32 s0, $0x4  }
0x3: {  	s5 =	simm.s32 $0x1;
	s0 =	stileid.u32;
	s1 =	sand.u32 $0x10, s1  }
0x4: {  	s31 =	simm.s32 $0x2;
	s16 =	simm.s32 $0x0;
	s1 =	sor.u32 s0, s1  }
0x5: {  	s8 =	simm.s32 $0x8000;
	s17 =	simm.s32 $0x0;
	s2 =	sshll.u32 s1, $0x7  }
0x6: {  	s18 =	simm.s32 $0x0;
	s9 =	simm.s32 $0x0;
	s4 =	ssub.s32 $0x1000, s2  }
0x7: {  	s10 =	simm.s32 $0x0;
	s11 =	simm.s32 $0x0;
	s30 =	sand.u32 $0xF80, s4  }
0x8: {  	s12 =	simm.s32 $0x0;
	s14 =	simm.s32 $0x0;
	p0 =	sne.s32 s30, $0x0  }
.Ltmp0:
0x9: {  	s7 =	sshrl.u32 s4, $0xC;
	s5 =	simm.s32 @!p0 $0x0;
	(pc) =	sbr.rel .LBB1_1-.Ltmp0, $4  }
0xa: {  	s15 =	simm.s32 $0x0;
	s1 =	rddreg [dreg:$0x2];
	s5 =	sadd.s32 s5, s7  }
0xb: {  	_ =	strace $0x8000004A;
	s4 =	simm.s32 $0x1;
	s5 =	smul.u32 $0x23, s5  }
0xc: {  	s6 =	sadd.s32 $0x10E00, s6;
	s13 =	smov.u32 s2;
	[sflag:s4] =	ssyncpa.u1 $0x0  }
0xd: {  	[sflag:s31] =	ssyncpa.u1 $0x0;
	p0 =	por $0x0, $0x0;
	s7 =	sadd.s32 $0x1, s5  }
.LBB1_4:
0xe: {  	s23 =	sshra.s32 s23, $0x2;
	s30 =	sshll.u32 s9, $0xC  }
0xf: {  	p1 =	sgt.s32 s11, $0x4;
	s24 =	smov.u32 s11;
	s25 =	sshra.s32 s11, $0x1F  }
0x10: {  	s26 =	sshll.u32 s10, $0x3;
	s28 =	smov.u32 s10;
	s29 =	sshra.s32 s10, $0x1F  }
0x11: {  	s22 =	sadd.s32 s23, s22;
	s24 =	simm.s32 @!p1 $0x4;
	s25 =	sand.u32 s25, s11  }
0x12: {  	s23 =	sand.u32 $0xFFFF8000, s30;
	s27 =	sand.u32 $0xFFFFFC00, s26;
	p1 =	sgt.s32 s9, $0x2C0  }
0x13: {  	s31 =	sand.u32 s29, s10;
	s29 =	sshll.u32 s9, $0x7;
	s30 =	sshra.s32 s9, $0x1F  }
0x14: {  	[tilespmem:s21+$0x2040 ss:$0x81] =	vst.msk $0xffff, v4;
	s24 =	ssub.s32 s24, s25;
	s23 =	sadd.s32 s27, s23;
	s27 =	smov.u32 s9  }
0x15: {  	[tilespmem:s21+$0x2850 ss:$0x81] =	vst.msk $0xffff, v3;
	s29 =	sand.u32 $0x380, s29;
	s25 =	sadd.s32 $0xFFFFFFFC, s24;
	s27 =	simm.s32 @!p1 $0x2C0  }
0x16: {  	v5 =	vld [tilespmem:s20+$0xFFFFFFD0];
	[tilespmem:s21+$0x3060 ss:$0x81] =	vst.msk $0xffff, v2;
	p1 =	sgt.s32 s10, $0xF80;
	s23 =	sshrl.u32 s23, $0xC;
	s24 =	ssub.s32 $0x5, s24  }
0x17: {  	v58 =	vld [tilespmem:s20+$0xFFFFFFE0];
	[tilespmem:s21+$0x0 ss:$0x81] =	vst.msk $0xffff, v1;
	s28 =	simm.s32 @!p1 $0xF80;
	p1 =	sgt.s32 s25, $0x0;
	s21 =	smulhi.u32 $0x4EC4ED, s23  }
0x18: {  	v59 =	vld [tilespmem:s20+$0xFFFFFFF0];
	s25 =	ssub.s32 s28, s31;
	s28 =	sand.u32 s30, s9;
	s24 =	simm.s32 @p1 $0x0  }
0x19: {  	v60 =	vld [tilespmem:s20+$0x0];
	s27 =	ssub.s32 s27, s28;
	s31 =	sadd.s32 $0xFFFFF080, s25;
	s25 =	ssub.s32 $0x1000, s25  }
0x1a: {  	v61 =	vld [tilespmem:s20+$0x10];
	[tilespmem:s22+$0x3870 ss:$0x81] =	vst.msk $0xffff, v0;
	s21 =	smul.u32 $0x340, s21;
	s28 =	sand.u32 $0x7, s10;
	p1 =	sgt.s32 s31, $0x7F  }
0x1b: {  	v62 =	vld [tilespmem:s20+$0x20];
	[tilespmem:s22+$0x810 ss:$0x81] =	vst.msk $0xffff, v5;
	s30 =	sadd.s32 $0xFFFFFD40, s27;
	s31 =	sand.u32 $0x78, s10;
	s25 =	simm.s32 @p1 $0x0  }
0x1c: {  	v63 =	vld [tilespmem:s20+$0xFFFFFFC0];
	[tilespmem:s22+$0x1020 ss:$0x81] =	vst.msk $0xffff, v58;
	p1 =	sgt.s32 s30, $0x7F;
	s30 =	sand.u32 $0xC00, s26;
	s24 =	smul.u32 s24, s25  }
0x1d: {  	[tilespmem:s22+$0x1830 ss:$0x81] =	vst.msk $0xffff, v59;
	s26 =	ssub.s32 $0x340, s27;
	s20 =	sor.u32 s31, s30;
	s31 =	smul.u32 $0x68000, s11  }
0x1e: {  	[tilespmem:s22+$0x2040 ss:$0x81] =	vst.msk $0xffff, v60;
	s21 =	ssub.s32 s23, s21;
	s26 =	simm.s32 @p1 $0x0;
	s20 =	sor.u32 s29, s20  }
0x1f: {  	[tilespmem:s22+$0x2850 ss:$0x81] =	vst.msk $0xffff, v61;
	s26 =	smul.u32 s26, s24;
	s20 =	sshrl.u32 s20, $0x3;
	s27 =	sadd.s32 s3, s31  }
0x20: {  	[tilespmem:s22+$0x3060 ss:$0x81] =	vst.msk $0xffff, v62;
	s21 =	sshll.u32 s21, $0x9;
	s29 =	sshll.u32 s28, $0x12;
	s20 =	sadd.s32 s20, s27  }
0x21: {  	[tilespmem:s22+$0x0 ss:$0x81] =	vst.msk $0xffff, v63;
	s31 =	sor.u32 $0x400, s29;
	s30 =	sand.u32 $0x3FFFFFFF, s26;
	s20 =	sadd.s32 s21, s20  }
0x22: {  	[hbm4b:s20+s31] =	stream.strided.scatter [tilespmem:s19], [sflag:$0x2], s30, s8, s31, $0x20;
	[tilespmem:$0x10100] =	vst v63  }
.LBB1_5:
0x23: {  	p1 =	slt.u32 s15, $0x2  }
0x24: {  	s19 =	smov.u32 s18;
	p2 =	sgt.s32 @!p1 s18, $0x4  }
0x25: {  	s20 =	sshra.s32 @!p1 s18, $0x1F;
	p3 =	sgt.s32 @!p1 s16, $0x2C0;
	p4 =	sgt.s32 @!p1 s17, $0xF80  }
0x26: {  	s21 =	sshra.s32 @!p1 s17, $0x1F;
	p2 =	por !p2, p1;
	s18 =	sand.u32 @!p1 s20, s18  }
0x27: {  	p4 =	por !p4, p1;
	s20 =	smov.u32 s17;
	s19 =	simm.s32 @p2 $0x4  }
0x28: {  	s17 =	sand.u32 @!p1 s21, s17;
	s20 =	simm.s32 @p4 $0xF80;
	s18 =	ssub.s32 @!p1 s19, s18  }
0x29: {  	p3 =	por !p3, p1;
	s17 =	ssub.s32 @!p1 s20, s17;
	s19 =	sadd.s32 @!p1 $0xFFFFFFFC, s18  }
0x2a: {  	s20 =	sshra.s32 @!p1 s16, $0x1F;
	s18 =	ssub.s32 @!p1 $0x5, s18;
	p2 =	sgt.s32 @!p1 s19, $0x0  }
0x2b: {  	s19 =	smov.u32 s16;
	s16 =	sand.u32 @!p1 s20, s16;
	s20 =	sadd.s32 @!p1 $0xFFFFF080, s17  }
0x2c: {  	s17 =	ssub.s32 @!p1 $0x1000, s17;
	s19 =	simm.s32 @p3 $0x2C0;
	p2 =	por !p2, p1  }
0x2d: {  	s18 =	simm.s32 @!p2 $0x0;
	s16 =	ssub.s32 @!p1 s19, s16;
	p2 =	sgt.s32 @!p1 s20, $0x7F  }
0x2e: {  	s20 =	smov.u32 s13;
	s19 =	sadd.s32 @!p1 $0xFFFFFD40, s16;
	p2 =	por !p2, p1  }
0x2f: {  	s16 =	ssub.s32 @!p1 $0x340, s16;
	s17 =	simm.s32 @!p2 $0x0;
	p2 =	sgt.s32 @!p1 s19, $0x7F  }
0x30: {  	s19 =	sadd.s32 $0x80, s12;
	p2 =	por !p2, p1;
	s17 =	smul.u32 @!p1 s18, s17  }
0x31: {  	s18 =	sadd.s32 $0x1000, s13;
	s16 =	simm.s32 @!p2 $0x0;
	p2 =	sgt.s32 s19, $0x33F  }
0x32: {  	s16 =	smul.u32 @!p1 s16, s17;
	s20 =	smov.u32 @p2 s18  }
0x33: {  	s19 =	simm.s32 @p2 $0x0;
	s17 =	simm.s32 $0x1;
	p2 =	sgt.s32 s20, $0xFFF  }
0x34: {  	s17 =	simm.s32 @!p2 $0x0  }
0x35: {  	p0 =	por !p0, !p0;
	s23 =	sadd.s32 s17, s14  }
0x36: {  	s21 =	simm.s32 @!p1 $0x2;
	s20 =	smov.u32 @p2 s2;
	p2 =	sgt.s32 s23, $0x4  }
0x37: {  	s18 =	smov.u32 s11;
	s23 =	simm.s32 @p2 $0x0;
	p2 =	sne.s32 s15, s7  }
.Ltmp1:
0x38: {  	s11 =	smov.u32 s14;
	s16 =	sand.u32 @!p1 $0x3FFFFFFF, s16;
	(pc) =	sbr.rel @!p2 .LBB1_6-.Ltmp1, $4  }
0x39: {  	_ =	swait.ge @!p1 [sflag:s21], s16;
	s22 =	ssub.s32 @!p1 $0x0, s16;
	s16 =	smov.u32 s9  }
0x3a: {  	s17 =	smov.u32 s10;
	s9 =	smov.u32 s12;
	s10 =	smov.u32 s13  }
0x3b: {  	s12 =	smov.u32 s19;
	s13 =	smov.u32 s20;
	[sflag:s21] =	ssyncset.done @!p1 $0x0  }
0x3c: {  	s15 =	sadd.s32 $0x1, s15;
	[sflag:s21] =	ssyncadd.s32 @!p1 s22;
	s14 =	smov.u32 s23  }
.LBB1_1:
0x3d: {  	p1 =	sge.u32 s15, s5  }
0x3e: {  	s19 =	sshrl.u32 @!p1 s13, $0x3  }
0x3f: {  	s20 =	sshll.u32 @!p1 s12, $0x3;
	s19 =	smul.u32 @!p1 $0x1C00, s19  }
0x40: {  	s21 =	sshll.u32 @!p1 s13, $0x7;
	s20 =	sand.u32 @!p1 $0xFFFFFC00, s20  }
0x41: {  	s19 =	sadd.s32 @!p1 s19, s20;
	s20 =	sand.u32 @!p1 $0x380, s21  }
0x42: {  	s19 =	sor.u32 @!p1 s20, s19  }
0x43: {  	s20 =	sshrl.u32 @!p1 s19, $0x7  }
0x44: {  	s20 =	smulhi.u32 @!p1 $0x24924925, s20  }
0x45: {  	s31 =	sadd.s32 $0xFFFFFFFF, s15  }
0x46: {  	s22 =	sand.u32 @!p1 $0x7F, s12;
	s21 =	sxor.u32 @!p1 $0xFFFFFFFF, s15;
	s23 =	smul.u32 @!p1 $0x380, s20  }
0x47: {  	s19 =	sor.u32 @!p1 s22, s19;
	s22 =	smul.u32 @!p1 $0x70000, s14;
	s20 =	sand.u32 @!p1 $0xFFF, s20  }
0x48: {  	s21 =	sshll.u32 @!p1 s21, $0xE;
	s20 =	smul.u32 @!p1 $0x70, s20;
	s19 =	ssub.s32 @!p1 s19, s23  }
0x49: {  	s21 =	sand.u32 @!p1 $0x4000, s21;
	s22 =	sadd.s32 @!p1 s6, s22;
	s23 =	sand.u32 @!p1 $0x7, s19  }
0x4a: {  	s19 =	sshrl.u32 @!p1 s19, $0x3;
	s20 =	sadd.s32 @!p1 s20, s22;
	s22 =	sshll.u32 @!p1 s23, $0x12  }
0x4b: {  	s19 =	sadd.s32 @!p1 s19, s20;
	s20 =	sor.u32 @!p1 $0x400, s22;
	s22 =	simm.s32 @!p1 $0x1C00  }
0x4c: {  	[tilespmem:s21], [sflag:$0x1] =	stream.strided.gather @!p1 [hbm4b:s19+s20], $0x4000, s22, s20, $0x38;
	[tilespmem:$0x10100] =	vst v63  }
0x4d: {  	p1 =	sge.u32 s31, s5  }
.Ltmp2:
0x4e: {  	_ = 	snop;
	(pc) =	sbr.rel @p1 .LBB1_5-.Ltmp2, $1  }
0x4f: {  	_ =	sdelay $0x3  }
0x50: {  	s19 =	simm.s32 $0x1  }
0x51: {  	_ =	swait.ge [sflag:s4], $0x4000;
	s19 =	simm.s32 @!p0 $0x0  }
0x52: {  	[sflag:s4] =	ssyncset.done $0x0;
	s20 =	sshll.u32 s19, $0xE  }
0x53: {  	[sflag:s4] =	ssyncadd.s32 $0xFFFFC000;
	s20 =	sor.u32 $0x40, s20  }
0x54: {  	s19 =	smul.u32 $0x10200, s19;
	v0 =	vld [tilespmem:s20+$0x30]  }
0x55: {  	v1 =	vld [tilespmem:s20+$0xFFFFFFD0]  }
0x56: {  	s19 =	sshrl.u32 s19, $0x2;
	v5 =	vld [tilespmem:s20+$0xFFFFFFE0]  }
0x57: {  	v6 =	vld [tilespmem:s20+$0xFFFFFFF0];
	s22 =	sor.u32 $0x8000, s19  }
0x58: {  	s31 =	sand.u32 $0x1, s15;
	v4 =	vld [tilespmem:s20+$0x0];
	s21 =	sadd.s32 $0x0, s22  }
0x59: {  	v3 =	vld [tilespmem:s20+$0x10];
	s19 =	smul.u32 $0x10200, s31;
	[tilespmem:s21+$0x3870 ss:$0x81] =	vst.msk $0xffff, v0  }
0x5a: {  	v2 =	vld [tilespmem:s20+$0x20];
	[tilespmem:s21+$0x810 ss:$0x81] =	vst.msk $0xffff, v1  }
0x5b: {  	s19 =	sshrl.u32 s19, $0x2;
	v1 =	vld [tilespmem:s20+$0xFFFFFFC0];
	[tilespmem:s21+$0x1020 ss:$0x81] =	vst.msk $0xffff, v5;
	s20 =	sadd.s32 $0x80, s20  }
0x5c: {  	s23 =	simm.s32 $0x4;
	s24 =	simm.s32 $0x8;
	s19 =	sor.u32 $0x8000, s19;
	[tilespmem:s21+$0x1830 ss:$0x81] =	vst.msk $0xffff, v6;
	v0 =	vld [tilespmem:s20+$0x30]  }
.LBB1_3:
0x5d: {  	p1 =	sne.s32 s24, $0x1FC;
	v5 =	vld [tilespmem:s20+$0xFFFFFFD0];
	[tilespmem:s21+$0x2040 ss:$0x81] =	vst.msk $0xffff, v4  }
0x5e: {  	v6 =	vld [tilespmem:s20+$0xFFFFFFE0];
	[tilespmem:s21+$0x2850 ss:$0x81] =	vst.msk $0xffff, v3  }
0x5f: {  	s25 =	sshra.s32 s23, $0x2;
	s23 =	smov.u32 s24;
	v7 =	vld [tilespmem:s20+$0xFFFFFFF0];
	[tilespmem:s21+$0x3060 ss:$0x81] =	vst.msk $0xffff, v2  }
.Ltmp3:
0x60: {  	v4 =	vld [tilespmem:s20+$0x0];
	[tilespmem:s21+$0x0 ss:$0x81] =	vst.msk $0xffff, v1;
	s21 =	sadd.s32 s25, s22;
	(pc) =	sbr.rel @p1 .LBB1_3-.Ltmp3, $4  }
0x61: {  	v3 =	vld [tilespmem:s20+$0x10];
	[tilespmem:s21+$0x3870 ss:$0x81] =	vst.msk $0xffff, v0  }
0x62: {  	[tilespmem:s21+$0x810 ss:$0x81] =	vst.msk $0xffff, v5;
	v2 =	vld [tilespmem:s20+$0x20]  }
0x63: {  	v1 =	vld [tilespmem:s20+$0xFFFFFFC0];
	[tilespmem:s21+$0x1020 ss:$0x81] =	vst.msk $0xffff, v6;
	s20 =	sadd.s32 $0x80, s20  }
0x64: {  	s24 =	sadd.s32 $0x4, s24;
	v0 =	vld [tilespmem:s20+$0x30];
	[tilespmem:s21+$0x1830 ss:$0x81] =	vst.msk $0xffff, v7  }
.Ltmp4:
0x65: {  	_ = 	snop;
	(pc) =	sbr.rel .LBB1_4-.Ltmp4, $1  }
0x66: {  	_ =	sdelay $0x3  }
.LBB1_6:
0x67: {  	_ =	sfence.sel $0x180000  }
0x68: {  	s2 =	simm.s32 $0x1;
	[bflag:$0x0] =	sbarrier.arrive $0xFFFF  }
0x69: {  	s31 =	simm.s32 $0x2;
	[sflag:s2] =	ssyncpa.u1 $0x1  }
0x6a: {  	[sflag:s31] =	ssyncpa.u1 $0x1  }
0x6b: {  	p0 =	sne.s32 s0, $0x0;
	_ =	strace $0x9000004A  }
0x6c: {  	s0 =	sadd.s32 @!p0 $0x100000, s1;
	[bflag:$0x2] =	sbarrier.arrive $0xFFFF  }
0x6d: {  	[sflag:s0] =	ssyncadd.tile.s32 @!p0 $0x1;
	_ =	shalt  }
.Lfunc_end1:
_tile_overlayer_lowered:
.L_overlay_start_2:
0x6e: {  	(tag) =	ssettag $0x2  }
0x6f: {  	s0 =	rddreg [dreg:$0x0];
	s2 =	stileid.u32  }
0x70: {  	s1 =	rddreg [dreg:$0x1];
	p0 =	sne.s32 s2, $0x0  }
0x71: {  	s3 =	rddreg [dreg:$0x2];
	[bflag:$0x3] =	sbarrier.arrive $0xFFFF;
	s2 =	simm.s32 @!p0 $0x1C01  }
0x72: {  	[timem:s3], [sflag:s2] =	dma.local @!p0 [hbm:s0], s1  }
0x73: {  	s0 =	simm.s32 @!p0 $0x1  }
0x74: {  	_ =	swait.ge @!p0 [sflag:s0], s1  }
0x75: {  	s1 =	ssub.s32 @!p0 $0x0, s1;
	[sflag:s0] =	ssyncset.done @!p0 $0x0  }
0x76: {  	[sflag:s0] =	ssyncadd.s32 @!p0 s1  }
0x77: {  	[bflag:$0x3] =	sbarrier.arrive $0xFFFF  }
0x78: {  	_ =	shalt  }

</sc_bundles>
